<compile_context>
chip_gen: v7x
topology: tpu7x:2x2x1
jax: 0.10.2.dev20260603
libtpu: 0.0.44.dev20260713+nightly
codegen_flags: <defaults>
</compile_context>

<pallas_src>
import functools
import math

import jax
import jax.numpy as jnp
from jax import lax
from jax.experimental import pallas as pl
from jax.experimental.pallas import tpu as pltpu
from jax.experimental.pallas import tpu_sc as plsc

N = 4096
E = 65536
D = 128
NG = 64
HEADS = 4
HD = D // HEADS

N2 = 2 * N
E2 = 2 * E

NC = 2
NS = 16
NW = NC * NS
EPW = E2 // NW
CHUNK = 128
NCH = EPW // CHUNK
RPT = N2 // NS
CW = 128


def _mesh():
    return plsc.VectorSubcoreMesh(core_axis_name="c", subcore_axis_name="s",
                                  num_cores=NC, num_subcores=NS)


@functools.cache
def _make_sc_segsum():
    @functools.partial(
        pl.kernel,
        out_type=jax.ShapeDtypeStruct((NC * N2, D), jnp.float32),
        mesh=_mesh(),
        scratch_types=[
            pltpu.VMEM((NCH, CHUNK), jnp.int32),
            pltpu.VMEM((NCH, CHUNK), jnp.int32),
            pltpu.VMEM((CHUNK, D), jnp.float32),
            pltpu.VMEM((CHUNK, D), jnp.float32),
            pltpu.VMEM((CHUNK, D), jnp.float32),
            pltpu.VMEM_SHARED((N2, D), jnp.float32),
            pltpu.SemaphoreType.DMA,
            pltpu.SemaphoreType.DMA,
            pltpu.SemaphoreType.DMA,
            pltpu.SemaphoreType.DMA,
            pltpu.SemaphoreType.DMA,
            pltpu.SemaphoreType.DMA,
        ],
    )
    def sc_segsum(table_hbm, src_hbm, dst_hbm, zeros_hbm, out_hbm,
                  sidx, didx, buf0, buf1, buf2, acc,
                  g0, g1, g2, s0, s1, s2):
        cid = lax.axis_index("c")
        sid = lax.axis_index("s")
        wid = sid * NC + cid
        r0 = sid * RPT
        pltpu.sync_copy(zeros_hbm.at[pl.ds(r0, RPT)], acc.at[pl.ds(r0, RPT)])
        row0 = pl.multiple_of(wid * NCH, NCH)
        pltpu.sync_copy(src_hbm.at[pl.ds(row0, NCH)], sidx)
        pltpu.sync_copy(dst_hbm.at[pl.ds(row0, NCH)], didx)
        plsc.subcore_barrier()

        bufs = (buf0, buf1, buf2)
        gsems = (g0, g1, g2)
        ssems = (s0, s1, s2)

        def start_g(j, b):
            pltpu.async_copy(table_hbm.at[sidx.at[j]], bufs[b], gsems[b])

        def wait_g(b):
            pltpu.make_async_copy(table_hbm.at[sidx.at[0]], bufs[b],
                                  gsems[b]).wait()

        def start_s(j, b):
            pltpu.async_copy(bufs[b], acc.at[didx.at[j]], ssems[b], add=True)

        def wait_s(b):
            pltpu.make_async_copy(bufs[b], acc.at[didx.at[0]],
                                  ssems[b]).wait()

        start_g(0, 0)
        start_g(1, 1)

        def group(jj, carry):
            for b in range(3):
                j = 3 * jj + b
                wait_g(b)
                start_s(j, b)
                bb = (b + 2) % 3
                if b == 0:
                    @pl.when(jj > 0)
                    def _():
                        wait_s(bb)
                else:
                    wait_s(bb)
                start_g(j + 2, bb)
            return carry

        lax.fori_loop(0, (NCH - 2) // 3, group, 0)
        wait_g((NCH - 2) % 3)
        start_s(NCH - 2, (NCH - 2) % 3)
        wait_g((NCH - 1) % 3)
        start_s(NCH - 1, (NCH - 1) % 3)
        wait_s(0)
        wait_s(1)
        wait_s(2)
        plsc.subcore_barrier()
        out_base = pl.multiple_of(cid * N2 + r0, RPT)
        pltpu.sync_copy(acc.at[pl.ds(r0, RPT)], out_hbm.at[pl.ds(out_base, RPT)])

    return sc_segsum


@functools.cache
def _make_sc_l1():
    fsds = jax.ShapeDtypeStruct((NC * N2, D), jnp.float32)

    @functools.partial(
        pl.kernel,
        out_type=(fsds, jax.ShapeDtypeStruct((NC * N2, CW), jnp.float32)),
        mesh=_mesh(),
        scratch_types=[
            pltpu.VMEM((NCH, CHUNK), jnp.int32),
            pltpu.VMEM((NCH, CHUNK), jnp.int32),
            pltpu.VMEM((CHUNK, D), jnp.float32),
            pltpu.VMEM((CHUNK, D), jnp.float32),
            pltpu.VMEM((CHUNK, D), jnp.float32),
            pltpu.VMEM_SHARED((N2, D), jnp.float32),
            pltpu.SemaphoreType.DMA,
            pltpu.SemaphoreType.DMA,
            pltpu.SemaphoreType.DMA,
            pltpu.SemaphoreType.DMA,
            pltpu.SemaphoreType.DMA,
            pltpu.SemaphoreType.DMA,
        ],
    )
    def sc_l1(table_hbm, src_hbm, dst_hbm, zeros_hbm, ones_hbm,
              out_hbm, cnt_hbm, sidx, didx, buf0, buf1, buf2, acc,
              g0, g1, g2, s0, s1, s2):
        cid = lax.axis_index("c")
        sid = lax.axis_index("s")
        wid = sid * NC + cid
        r0 = sid * RPT
        pltpu.sync_copy(zeros_hbm.at[pl.ds(r0, RPT)], acc.at[pl.ds(r0, RPT)])
        row0 = pl.multiple_of(wid * NCH, NCH)
        pltpu.sync_copy(src_hbm.at[pl.ds(row0, NCH)], sidx)
        pltpu.sync_copy(dst_hbm.at[pl.ds(row0, NCH)], didx)
        pltpu.sync_copy(ones_hbm, buf0)
        plsc.subcore_barrier()

        bufs = (buf0, buf1, buf2)
        gsems = (g0, g1, g2)
        ssems = (s0, s1, s2)

        def fireh(j, b):
            pltpu.async_copy(buf0, acc.at[didx.at[j]], ssems[b], add=True)

        def drainh(b):
            pltpu.make_async_copy(buf0, acc.at[didx.at[0]], ssems[b]).wait()

        def pairh(jj, carry):
            j0 = 2 * jj

            @pl.when(jj > 0)
            def _():
                drainh(0)

            fireh(j0, 0)

            @pl.when(jj > 0)
            def _():
                drainh(1)

            fireh(j0 + 1, 1)
            return carry

        lax.fori_loop(0, NCH // 2, pairh, 0)
        drainh(0)
        drainh(1)
        plsc.subcore_barrier()
        out_base = pl.multiple_of(cid * N2 + r0, RPT)
        pltpu.sync_copy(acc.at[pl.ds(r0, RPT)], cnt_hbm.at[pl.ds(out_base, RPT)])
        pltpu.sync_copy(zeros_hbm.at[pl.ds(r0, RPT)], acc.at[pl.ds(r0, RPT)])
        plsc.subcore_barrier()

        def start_g(j, b):
            pltpu.async_copy(table_hbm.at[sidx.at[j]], bufs[b], gsems[b])

        def wait_g(b):
            pltpu.make_async_copy(table_hbm.at[sidx.at[0]], bufs[b],
                                  gsems[b]).wait()

        def start_s(j, b):
            pltpu.async_copy(bufs[b], acc.at[didx.at[j]], ssems[b], add=True)

        def wait_s(b):
            pltpu.make_async_copy(bufs[b], acc.at[didx.at[0]],
                                  ssems[b]).wait()

        start_g(0, 0)
        start_g(1, 1)

        def group(jj, carry):
            for b in range(3):
                j = 3 * jj + b
                wait_g(b)
                start_s(j, b)
                bb = (b + 2) % 3
                if b == 0:
                    @pl.when(jj > 0)
                    def _():
                        wait_s(bb)
                else:
                    wait_s(bb)
                start_g(j + 2, bb)
            return carry

        lax.fori_loop(0, (NCH - 2) // 3, group, 0)
        wait_g((NCH - 2) % 3)
        start_s(NCH - 2, (NCH - 2) % 3)
        wait_g((NCH - 1) % 3)
        start_s(NCH - 1, (NCH - 1) % 3)
        wait_s(0)
        wait_s(1)
        wait_s(2)
        plsc.subcore_barrier()
        pltpu.sync_copy(acc.at[pl.ds(r0, RPT)], out_hbm.at[pl.ds(out_base, RPT)])

    return sc_l1


def _dotT(a, w):
    return lax.dot_general(a, w, (((1,), (1,)), ((), ())),
                           preferred_element_type=jnp.float32)


BR = 512
NBLK = N2 // BR


def _cnt_full(c_ref):
    cnt = jnp.maximum(c_ref[0] + c_ref[1], 1.0)
    return jnp.concatenate([cnt] * (D // CW), axis=1)


def _sage1_tc(parts, cnt_parts, x, wl, bl, wr):

    def body(p_ref, c_ref, x_ref, wl_ref, bl_ref, wr_ref, o_ref):
        mean = (p_ref[0] + p_ref[1]) / _cnt_full(c_ref)
        h = (_dotT(mean, wl_ref[0]) + bl_ref[0]
             + _dotT(x_ref[...], wr_ref[0]))
        o_ref[...] = jnp.maximum(h, 0.0)

    return pl.pallas_call(
        body,
        grid=(NBLK,),
        in_specs=[
            pl.BlockSpec((NC, BR, D), lambda i: (0, i, 0)),
            pl.BlockSpec((NC, BR, CW), lambda i: (0, i, 0)),
            pl.BlockSpec((BR, D), lambda i: (i, 0)),
            pl.BlockSpec((1, D, D), lambda i: (i // (NBLK // 2), 0, 0)),
            pl.BlockSpec((1, 1, D), lambda i: (i // (NBLK // 2), 0, 0)),
            pl.BlockSpec((1, D, D), lambda i: (i // (NBLK // 2), 0, 0)),
        ],
        out_specs=pl.BlockSpec((BR, D), lambda i: (i, 0)),
        out_shape=jax.ShapeDtypeStruct((N2, D), jnp.float32),
    )(parts.reshape(NC, N2, D), cnt_parts.reshape(NC, N2, CW), x, wl, bl, wr)


def _sage2_proj_tc(parts, cnt_parts, x, wl, bl, wr, wq, bq, wk, bk, wv, bv):

    def body(p_ref, c_ref, x_ref, wl_ref, bl_ref, wr_ref,
             wq_ref, bq_ref, wk_ref, bk_ref, wv_ref, bv_ref,
             h_ref, q_ref, k_ref, v_ref):
        mean = (p_ref[0] + p_ref[1]) / _cnt_full(c_ref)
        h = (_dotT(mean, wl_ref[0]) + bl_ref[0]
             + _dotT(x_ref[...], wr_ref[0]))
        h = jnp.maximum(h, 0.0)
        h_ref[...] = h
        q_ref[...] = (_dotT(h, wq_ref[0]) + bq_ref[0]) * QSCALE
        k_ref[...] = (_dotT(h, wk_ref[0]) + bk_ref[0]).astype(jnp.bfloat16)
        v = _dotT(h, wv_ref[0]) + bv_ref[0]
        ones32 = jnp.ones((BR, HD), jnp.float32)
        v2 = jnp.concatenate(
            [x for hh in range(HEADS)
             for x in (v[:, hh * HD:(hh + 1) * HD], ones32)], axis=1)
        v_ref[...] = v2.astype(jnp.bfloat16)

    half = NBLK // 2
    wsel = lambda i: (i // half, 0, 0)
    row = pl.BlockSpec((BR, D), lambda i: (i, 0))
    xrow = pl.BlockSpec((BR, D), lambda i: ((i + half) % NBLK, 0))
    xrow2 = pl.BlockSpec((BR, 2 * D), lambda i: ((i + half) % NBLK, 0))
    w_spec = pl.BlockSpec((1, D, D), wsel)
    b_spec = pl.BlockSpec((1, 1, D), wsel)
    return pl.pallas_call(
        body,
        grid=(NBLK,),
        in_specs=[
            pl.BlockSpec((NC, BR, D), lambda i: (0, i, 0)),
            pl.BlockSpec((NC, BR, CW), lambda i: (0, i, 0)),
            row, w_spec, b_spec, w_spec,
            w_spec, b_spec, w_spec, b_spec, w_spec, b_spec,
        ],
        out_specs=[row, row, xrow, xrow2],
        out_shape=[jax.ShapeDtypeStruct((N2, D), jnp.float32),
                   jax.ShapeDtypeStruct((N2, D), jnp.float32),
                   jax.ShapeDtypeStruct((N2, D), jnp.bfloat16),
                   jax.ShapeDtypeStruct((N2, 2 * D), jnp.bfloat16)],
    )(parts.reshape(NC, N2, D), cnt_parts.reshape(NC, N2, CW), x,
      wl, bl, wr, wq, bq, wk, bk, wv, bv)


BQ = 256
QSCALE = math.log2(math.e) / math.sqrt(HD)


def _attn_tc(q, k, v, res):
    qpg = N // BQ

    def body(q_ref, k_ref, v_ref, r_ref, o_ref):
        kk = k_ref[0]
        vv = v_ref[0]
        outs = []
        for h in range(HEADS):
            qh = q_ref[:, h * HD:(h + 1) * HD].astype(jnp.bfloat16)
            kh = kk[:, h * HD:(h + 1) * HD]
            s = lax.dot_general(qh, kh, (((1,), (1,)), ((), ())),
                                preferred_element_type=jnp.float32)
            m = jnp.max(s, axis=1, keepdims=True)
            e = jnp.exp2(s - m).astype(jnp.bfloat16)
            oo = lax.dot_general(e, vv[:, 2 * h * HD:2 * (h + 1) * HD],
                                 (((1,), (0,)), ((), ())),
                                 preferred_element_type=jnp.float32)
            outs.append(oo[:, :HD] / oo[:, HD:])
        o_ref[...] = r_ref[...] + jnp.concatenate(outs, axis=1)

    qspec = pl.BlockSpec((BQ, D), lambda i: (i, 0))
    kv = pl.BlockSpec((1, N, D), lambda i: (i // qpg, 0, 0))
    kv2 = pl.BlockSpec((1, N, 2 * D), lambda i: (i // qpg, 0, 0))
    return pl.pallas_call(
        body,
        grid=(N2 // BQ,),
        in_specs=[qspec, kv, kv2, qspec],
        out_specs=qspec,
        out_shape=jax.ShapeDtypeStruct((N2, D), jnp.float32),
    )(q, k.reshape(2, N, D), v.reshape(2, N, 2 * D), res)


def _pool_tc(h_all, mb, pb, fc1w, fc1b, fc2w, fc2b):

    def body(hm_ref, hp_ref, mb_ref, pb_ref, w1, b1, w2, b2, o_ref):
        ones_rows = jnp.ones((N, D), jnp.float32)

        def pool(h_ref, seg_ref):
            seg = seg_ref[...]
            gids = lax.broadcasted_iota(jnp.int32, (N, NG), 1)
            onehot = (seg == gids).astype(jnp.float32)
            tot = lax.dot_general(onehot, h_ref[0], (((0,), (0,)), ((), ())),
                                  preferred_element_type=jnp.float32)
            cnt = lax.dot_general(onehot, ones_rows, (((0,), (0,)), ((), ())),
                                  preferred_element_type=jnp.float32)
            return tot / jnp.maximum(cnt, 1.0)

        z = jnp.concatenate([pool(hm_ref, mb_ref), pool(hp_ref, pb_ref)], axis=1)
        x = jnp.maximum(_dotT(z, w1[...]) + b1[...], 0.0)
        y = jnp.sum(x * w2[...], axis=1, keepdims=True) + b2[0, 0]
        o_ref[...] = 1.0 / (1.0 + jnp.exp(-y))

    full = lambda shp: pl.BlockSpec(shp, lambda i: tuple(0 for _ in shp))
    halfm = pl.BlockSpec((1, N, D), lambda i: (0, 0, 0))
    halfp = pl.BlockSpec((1, N, D), lambda i: (1, 0, 0))
    h3 = h_all.reshape(2, N, D)
    return pl.pallas_call(
        body,
        grid=(1,),
        in_specs=[halfm, halfp, full((N, 1)), full((N, 1)),
                  full((D, 2 * D)), full((1, D)), full((1, D)), full((1, 1))],
        out_specs=full((NG, 1)),
        out_shape=jax.ShapeDtypeStruct((NG, 1), jnp.float32),
    )(h3, h3, mb, pb, fc1w, fc1b, fc2w, fc2b)


def _stack(p, names):
    return jnp.stack([p[n] for n in names])


def kernel(x_mol, edge_index_mol, mol_batch, x_prot, edge_index_prot,
           prot_batch, params):
    p = params
    x_all = jnp.concatenate([x_mol, x_prot])
    src = jnp.concatenate([edge_index_mol[0], edge_index_prot[0] + N])
    dst = jnp.concatenate([edge_index_mol[1], edge_index_prot[1] + N])
    src2d = src.reshape(E2 // CHUNK, CHUNK)
    dst2d = dst.reshape(E2 // CHUNK, CHUNK)
    zeros = jnp.zeros((N2, D), jnp.float32)
    ones_cw = jnp.ones((CHUNK, CW), jnp.float32)

    wl1 = _stack(p, ['mol_Wl1', 'prot_Wl1'])
    bl1 = _stack(p, ['mol_bl1', 'prot_bl1']).reshape(2, 1, D)
    wr1 = _stack(p, ['mol_Wr1', 'prot_Wr1'])
    wl2 = _stack(p, ['mol_Wl2', 'prot_Wl2'])
    bl2 = _stack(p, ['mol_bl2', 'prot_bl2']).reshape(2, 1, D)
    wr2 = _stack(p, ['mol_Wr2', 'prot_Wr2'])
    wq = _stack(p, ['m2p_WQ', 'p2m_WQ'])
    bq = _stack(p, ['m2p_bQ', 'p2m_bQ']).reshape(2, 1, D)
    wk = _stack(p, ['p2m_WK', 'm2p_WK'])
    bk = _stack(p, ['p2m_bK', 'm2p_bK']).reshape(2, 1, D)
    wv = _stack(p, ['p2m_WV', 'm2p_WV'])
    bv = _stack(p, ['p2m_bV', 'm2p_bV']).reshape(2, 1, D)

    parts1, cnt_parts = _make_sc_l1()(x_all, src2d, dst2d, zeros, ones_cw)
    h1 = _sage1_tc(parts1, cnt_parts, x_all, wl1, bl1, wr1)
    parts2 = _make_sc_segsum()(h1, src2d, dst2d, zeros)
    h2, qs, ks, vs = _sage2_proj_tc(parts2, cnt_parts, h1,
                                    wl2, bl2, wr2, wq, bq, wk, bk, wv, bv)

    h_c = _attn_tc(qs, ks, vs, h2)

    out = _pool_tc(h_c, mol_batch.reshape(N, 1), prot_batch.reshape(N, 1),
                   p['fc1_W'], p['fc1_b'].reshape(1, D),
                   p['fc2_W'].reshape(1, D), p['fc2_b'].reshape(1, 1))
    return out.reshape(NG)

# --- scband reference (transcript-rebuilt; emitter-appended) ---
"""Pipeline reference for scband-cross-graph-attention-model-11201274708050 (READ-ONLY COPY).

The authoritative reference and input builder live on the scoring server;
editing this copy changes nothing except your own understanding.
"""

import jax, jax.numpy as jnp
import numpy as np

N_MOL = 4096
N_PROT = 4096
E_MOL = 65536
E_PROT = 65536
D_IN = 128
HID = 128
HEADS = 4
NG = 64


def _lin_init(key, out_dim, in_dim):
    return jax.random.normal(key, (out_dim, in_dim), dtype=jnp.float32) * (1.0 / np.sqrt(in_dim))


def setup_inputs(seed: int = 0):
    key = jax.random.key(seed)
    ks = jax.random.split(key, 48)
    inp = {}
    inp['x_mol'] = jax.random.normal(ks[0], (N_MOL, D_IN), dtype=jnp.float32)
    inp['edge_index_mol'] = jax.random.randint(ks[1], (2, E_MOL), 0, N_MOL, dtype=jnp.int32)
    inp['mol_batch'] = jnp.sort(jax.random.randint(ks[2], (N_MOL,), 0, NG, dtype=jnp.int32))
    inp['x_prot'] = jax.random.normal(ks[3], (N_PROT, D_IN), dtype=jnp.float32)
    inp['edge_index_prot'] = jax.random.randint(ks[4], (2, E_PROT), 0, N_PROT, dtype=jnp.int32)
    inp['prot_batch'] = jnp.sort(jax.random.randint(ks[5], (N_PROT,), 0, NG, dtype=jnp.int32))
    p = {}
    i = 6
    for g in ['mol', 'prot']:
        p[g + '_Wl1'] = _lin_init(ks[i], HID, D_IN); i += 1
        p[g + '_bl1'] = jnp.zeros((HID,), jnp.float32)
        p[g + '_Wr1'] = _lin_init(ks[i], HID, D_IN); i += 1
        p[g + '_Wl2'] = _lin_init(ks[i], HID, HID); i += 1
        p[g + '_bl2'] = jnp.zeros((HID,), jnp.float32)
        p[g + '_Wr2'] = _lin_init(ks[i], HID, HID); i += 1
    for a in ['m2p', 'p2m']:
        for w in ['Q', 'K', 'V']:
            p[a + '_W' + w] = _lin_init(ks[i], HID, HID); i += 1
            p[a + '_b' + w] = jnp.zeros((HID,), jnp.float32)
    p['fc1_W'] = _lin_init(ks[i], HID, 2 * HID); i += 1
    p['fc1_b'] = jnp.zeros((HID,), jnp.float32)
    p['fc2_W'] = _lin_init(ks[i], 1, HID); i += 1
    p['fc2_b'] = jnp.zeros((1,), jnp.float32)
    inp['params'] = p
    return inp


def _sage(x, ei, Wl, bl, Wr):
    # PyG SAGEConv with mean aggregation: lin_l(mean_j x_j) + lin_r(x_i)
    src, dst = ei[0], ei[1]
    n = x.shape[0]
    agg = jax.ops.segment_sum(x[src], dst, num_segments=n)
    cnt = jax.ops.segment_sum(jnp.ones((ei.shape[1], 1), x.dtype), dst, num_segments=n)
    mean = agg / jnp.maximum(cnt, 1.0)
    return mean @ Wl.T + bl + x @ Wr.T


def _cross_attn(qn, kn, WQ, bQ, WK, bK, WV, bV):
    Nq, Nk = qn.shape[0], kn.shape[0]
    hd = HID // HEADS
    Q = (qn @ WQ.T + bQ).reshape(Nq, HEADS, hd).transpose(1, 0, 2)
    K = (kn @ WK.T + bK).reshape(Nk, HEADS, hd).transpose(1, 0, 2)
    V = (kn @ WV.T + bV).reshape(Nk, HEADS, hd).transpose(1, 0, 2)
    scores = jnp.matmul(Q, K.transpose(0, 2, 1)) / np.sqrt(hd)
    w = jax.nn.softmax(scores, axis=-1)
    out = jnp.matmul(w, V).transpose(1, 0, 2).reshape(Nq, HID)
    return out


def _pool(x, seg):
    s = jax.ops.segment_sum(x, seg, num_segments=NG)
    c = jax.ops.segment_sum(jnp.ones((x.shape[0], 1), x.dtype), seg, num_segments=NG)
    return s / jnp.maximum(c, 1.0)


def _forward(x_mol, x_prot, params, edge_index_mol, mol_batch, edge_index_prot, prot_batch):
    p = params
    h_mol = jax.nn.relu(_sage(x_mol, edge_index_mol, p['mol_Wl1'], p['mol_bl1'], p['mol_Wr1']))
    h_mol = jax.nn.relu(_sage(h_mol, edge_index_mol, p['mol_Wl2'], p['mol_bl2'], p['mol_Wr2']))
    h_prot = jax.nn.relu(_sage(x_prot, edge_index_prot, p['prot_Wl1'], p['prot_bl1'], p['prot_Wr1']))
    h_prot = jax.nn.relu(_sage(h_prot, edge_index_prot, p['prot_Wl2'], p['prot_bl2'], p['prot_Wr2']))
    h_mol_attn = _cross_attn(h_mol, h_prot, p['m2p_WQ'], p['m2p_bQ'], p['m2p_WK'], p['m2p_bK'], p['m2p_WV'], p['m2p_bV'])
    h_prot_attn = _cross_attn(h_prot, h_mol, p['p2m_WQ'], p['p2m_bQ'], p['p2m_WK'], p['p2m_bK'], p['p2m_WV'], p['p2m_bV'])
    h_mol_c = h_mol + h_mol_attn
    h_prot_c = h_prot + h_prot_attn
    z_mol = _pool(h_mol_c, mol_batch)
    z_prot = _pool(h_prot_c, prot_batch)
    z = jnp.concatenate([z_mol, z_prot], axis=1)
    x = jax.nn.relu(z @ p['fc1_W'].T + p['fc1_b'])
    out = jax.nn.sigmoid(x @ p['fc2_W'].T + p['fc2_b'])
    return out.squeeze()


def reference(x_mol, edge_index_mol, mol_batch, x_prot, edge_index_prot, prot_batch, params):
    return _forward(x_mol, x_prot, params, edge_index_mol, mol_batch, edge_index_prot, prot_batch)

if __name__ == "__main__":
    import jax
    _d = setup_inputs()
    print(jax.jit(kernel)(*tuple(_d.values())))

</pallas_src>

<mosaic_0001>
#map = affine_map<(d0, d1) -> (0, 0)>
module attributes {stable_mosaic.version = 14 : i64} {
  func.func @sc_l1(%arg0: i32, %arg1: i32, %arg2: memref<8192x128xf32, #tpu.memory_space<hbm>>, %arg3: memref<1024x128xi32, #tpu.memory_space<hbm>>, %arg4: memref<1024x128xi32, #tpu.memory_space<hbm>>, %arg5: memref<8192x128xf32, #tpu.memory_space<hbm>>, %arg6: memref<128x128xf32, #tpu.memory_space<hbm>>, %arg7: memref<16384x128xf32, #tpu.memory_space<hbm>>, %arg8: memref<16384x128xf32, #tpu.memory_space<hbm>>, %arg9: memref<32x128xi32, #tpu.memory_space<vmem>>, %arg10: memref<32x128xi32, #tpu.memory_space<vmem>>, %arg11: memref<128x128xf32, #tpu.memory_space<vmem>>, %arg12: memref<128x128xf32, #tpu.memory_space<vmem>>, %arg13: memref<128x128xf32, #tpu.memory_space<vmem>>, %arg14: memref<8192x128xf32, #tpu.memory_space<vmem_shared>>, %arg15: memref<!tpu.dma_semaphore, #tpu.memory_space<semaphore_mem>>, %arg16: memref<!tpu.dma_semaphore, #tpu.memory_space<semaphore_mem>>, %arg17: memref<!tpu.dma_semaphore, #tpu.memory_space<semaphore_mem>>, %arg18: memref<!tpu.dma_semaphore, #tpu.memory_space<semaphore_mem>>, %arg19: memref<!tpu.dma_semaphore, #tpu.memory_space<semaphore_mem>>, %arg20: memref<!tpu.dma_semaphore, #tpu.memory_space<semaphore_mem>>) attributes {dimension_semantics = [#tpu.dimension_semantics<core_parallel>, #tpu.dimension_semantics<subcore_parallel>], iteration_bounds = array<i64: 2, 16>, scalar_prefetch = 0 : i64, scratch_operands = 12 : i64, tpu.core_type = #tpu.core_type<sc_vector_subcore>, window_params = [{transform_indices = #map}, {transform_indices = #map}, {transform_indices = #map}, {transform_indices = #map}, {transform_indices = #map}, {transform_indices = #map}, {transform_indices = #map}]} {
    %mul3A = arith.constant 2 : i32
    %mul3A_0 = arith.muli %arg1, %mul3A : i32
    %add3A = arith.addi %mul3A_0, %arg0 : i32
    %mul3A_1 = arith.constant 512 : i32
    %mul3A_2 = arith.muli %arg1, %mul3A_1 : i32
    "tpu.region"() ({
      %run_scoped3A = tpu.sem_alloc : memref<!tpu.dma_semaphore, #tpu.memory_space<semaphore_mem>>
      %dma_start3A_98 = arith.constant 0 : i32
      %dma_start3A_99 = tpu.memref_slice %arg14[%mul3A_2, %dma_start3A_98] : memref<8192x128xf32, #tpu.memory_space<vmem_shared>> -> memref<512x128xf32, #tpu.memory_space<vmem_shared>>
      %dma_start3A_100 = arith.constant 0 : i32
      %dma_start3A_101 = tpu.memref_slice %arg5[%mul3A_2, %dma_start3A_100] : memref<8192x128xf32, #tpu.memory_space<hbm>> -> memref<512x128xf32, #tpu.memory_space<hbm>>
      tpu.enqueue_dma source(%dma_start3A_101 : memref<512x128xf32, #tpu.memory_space<hbm>>) target(%dma_start3A_99 : memref<512x128xf32, #tpu.memory_space<vmem_shared>>) target_semaphore(%run_scoped3A : memref<!tpu.dma_semaphore, #tpu.memory_space<semaphore_mem>>)
      %dma_wait3A_102 = arith.constant 0 : i32
      %dma_wait3A_103 = tpu.memref_slice %arg14[%mul3A_2, %dma_wait3A_102] : memref<8192x128xf32, #tpu.memory_space<vmem_shared>> -> memref<512x128xf32, #tpu.memory_space<vmem_shared>>
      %dma_wait3A_104 = arith.constant 0 : i32
      %dma_wait3A_105 = tpu.memref_slice %arg5[%mul3A_2, %dma_wait3A_104] : memref<8192x128xf32, #tpu.memory_space<hbm>> -> memref<512x128xf32, #tpu.memory_space<hbm>>
      tpu.wait_dma2 semaphore(%run_scoped3A : memref<!tpu.dma_semaphore, #tpu.memory_space<semaphore_mem>>) src(%dma_wait3A_105 : memref<512x128xf32, #tpu.memory_space<hbm>>) dst(%dma_wait3A_103 : memref<512x128xf32, #tpu.memory_space<vmem_shared>>)
      tpu.yield
    }) : () -> ()
    %mul3A_3 = arith.constant 32 : i32
    %mul3A_4 = arith.muli %add3A, %mul3A_3 : i32
    %multiple_of3A = tpu.assume_multiple %mul3A_4, 32 : i32
    "tpu.region"() ({
      %run_scoped3A = tpu.sem_alloc : memref<!tpu.dma_semaphore, #tpu.memory_space<semaphore_mem>>
      %dma_start3A_98 = arith.constant 0 : i32
      %dma_start3A_99 = tpu.memref_slice %arg3[%multiple_of3A, %dma_start3A_98] : memref<1024x128xi32, #tpu.memory_space<hbm>> -> memref<32x128xi32, #tpu.memory_space<hbm>>
      %dma_start3A_100 = arith.constant 0 : i32
      %dma_start3A_101 = tpu.memref_slice %arg3[%multiple_of3A, %dma_start3A_100] : memref<1024x128xi32, #tpu.memory_space<hbm>> -> memref<32x128xi32, #tpu.memory_space<hbm>>
      tpu.enqueue_dma source(%dma_start3A_101 : memref<32x128xi32, #tpu.memory_space<hbm>>) target(%arg9 : memref<32x128xi32, #tpu.memory_space<vmem>>) target_semaphore(%run_scoped3A : memref<!tpu.dma_semaphore, #tpu.memory_space<semaphore_mem>>)
      %dma_wait3A_102 = arith.constant 0 : i32
      %dma_wait3A_103 = tpu.memref_slice %arg3[%multiple_of3A, %dma_wait3A_102] : memref<1024x128xi32, #tpu.memory_space<hbm>> -> memref<32x128xi32, #tpu.memory_space<hbm>>
      %dma_wait3A_104 = arith.constant 0 : i32
      %dma_wait3A_105 = tpu.memref_slice %arg3[%multiple_of3A, %dma_wait3A_104] : memref<1024x128xi32, #tpu.memory_space<hbm>> -> memref<32x128xi32, #tpu.memory_space<hbm>>
      tpu.wait_dma2 semaphore(%run_scoped3A : memref<!tpu.dma_semaphore, #tpu.memory_space<semaphore_mem>>) src(%dma_wait3A_105 : memref<32x128xi32, #tpu.memory_space<hbm>>) dst(%arg9 : memref<32x128xi32, #tpu.memory_space<vmem>>)
      tpu.yield
    }) : () -> ()
    "tpu.region"() ({
      %run_scoped3A = tpu.sem_alloc : memref<!tpu.dma_semaphore, #tpu.memory_space<semaphore_mem>>
      %dma_start3A_98 = arith.constant 0 : i32
      %dma_start3A_99 = tpu.memref_slice %arg4[%multiple_of3A, %dma_start3A_98] : memref<1024x128xi32, #tpu.memory_space<hbm>> -> memref<32x128xi32, #tpu.memory_space<hbm>>
      %dma_start3A_100 = arith.constant 0 : i32
      %dma_start3A_101 = tpu.memref_slice %arg4[%multiple_of3A, %dma_start3A_100] : memref<1024x128xi32, #tpu.memory_space<hbm>> -> memref<32x128xi32, #tpu.memory_space<hbm>>
      tpu.enqueue_dma source(%dma_start3A_101 : memref<32x128xi32, #tpu.memory_space<hbm>>) target(%arg10 : memref<32x128xi32, #tpu.memory_space<vmem>>) target_semaphore(%run_scoped3A : memref<!tpu.dma_semaphore, #tpu.memory_space<semaphore_mem>>)
      %dma_wait3A_102 = arith.constant 0 : i32
      %dma_wait3A_103 = tpu.memref_slice %arg4[%multiple_of3A, %dma_wait3A_102] : memref<1024x128xi32, #tpu.memory_space<hbm>> -> memref<32x128xi32, #tpu.memory_space<hbm>>
      %dma_wait3A_104 = arith.constant 0 : i32
      %dma_wait3A_105 = tpu.memref_slice %arg4[%multiple_of3A, %dma_wait3A_104] : memref<1024x128xi32, #tpu.memory_space<hbm>> -> memref<32x128xi32, #tpu.memory_space<hbm>>
      tpu.wait_dma2 semaphore(%run_scoped3A : memref<!tpu.dma_semaphore, #tpu.memory_space<semaphore_mem>>) src(%dma_wait3A_105 : memref<32x128xi32, #tpu.memory_space<hbm>>) dst(%arg10 : memref<32x128xi32, #tpu.memory_space<vmem>>)
      tpu.yield
    }) : () -> ()
    "tpu.region"() ({
      %run_scoped3A = tpu.sem_alloc : memref<!tpu.dma_semaphore, #tpu.memory_space<semaphore_mem>>
      tpu.enqueue_dma source(%arg6 : memref<128x128xf32, #tpu.memory_space<hbm>>) target(%arg11 : memref<128x128xf32, #tpu.memory_space<vmem>>) target_semaphore(%run_scoped3A : memref<!tpu.dma_semaphore, #tpu.memory_space<semaphore_mem>>)
      tpu.wait_dma2 semaphore(%run_scoped3A : memref<!tpu.dma_semaphore, #tpu.memory_space<semaphore_mem>>) src(%arg6 : memref<128x128xf32, #tpu.memory_space<hbm>>) dst(%arg11 : memref<128x128xf32, #tpu.memory_space<vmem>>)
      tpu.yield
    }) : () -> ()
    %barrier3A = arith.constant 0 : index
    tpu.barrier barrier_id(%barrier3A)
    %scan3A = arith.constant 0 : i32
    %scan3A_5 = arith.constant 0 : i32
    %scan3A_6 = arith.constant 16 : i32
    %scan3A_7 = arith.addi %scan3A_5, %scan3A_6 : i32
    %scan3A_8 = arith.constant 1 : i32
    scf.for %scan3A_98 = %scan3A_5 to %scan3A_7 step %scan3A_8  : i32 {
      %mul3A_99 = arith.constant 2 : i32
      %mul3A_100 = arith.muli %mul3A_99, %scan3A_98 : i32
      %gt3A = arith.constant 0 : i32
      %gt3A_101 = arith.cmpi sgt, %scan3A_98, %gt3A : i32
      %convert_element_type3A = arith.extui %gt3A_101 : i1 to i32
      %cond3A = arith.constant 0 : i32
      %cond3A_102 = arith.cmpi ne, %convert_element_type3A, %cond3A : i32
      scf.if %cond3A_102 {
        %dma_wait3A_122 = arith.constant 0 : i32
        %dma_wait3A_123 = arith.constant 0 : i32
        %dma_wait3A_124 = tpu.memref_slice %arg10[%dma_wait3A_122, %dma_wait3A_123] : memref<32x128xi32, #tpu.memory_space<vmem>> -> memref<1x128xi32, #tpu.memory_space<vmem>>
        %dma_wait3A_125 = tpu.memref_squeeze %dma_wait3A_124 : memref<1x128xi32, #tpu.memory_space<vmem>> -> memref<128xi32, #tpu.memory_space<vmem>>
        %dma_wait3A_126 = arith.constant 0 : i32
        %dma_wait3A_127 = arith.constant 0 : i32
        %dma_wait3A_128 = tpu.memref_slice %arg14[%dma_wait3A_126, %dma_wait3A_127] : memref<8192x128xf32, #tpu.memory_space<vmem_shared>> -> memref<8192x128xf32, #tpu.memory_space<vmem_shared>>
        tpu.wait_indirect_dma semaphore(%arg18 : memref<!tpu.dma_semaphore, #tpu.memory_space<semaphore_mem>>) src(%arg11 : memref<128x128xf32, #tpu.memory_space<vmem>>) dst(%dma_wait3A_128 : memref<8192x128xf32, #tpu.memory_space<vmem_shared>>)
      } else {
      }
      %dma_start3A_103 = arith.constant 0 : i32
      %dma_start3A_104 = tpu.memref_slice %arg10[%mul3A_100, %dma_start3A_103] : memref<32x128xi32, #tpu.memory_space<vmem>> -> memref<1x128xi32, #tpu.memory_space<vmem>>
      %dma_start3A_105 = tpu.memref_squeeze %dma_start3A_104 : memref<1x128xi32, #tpu.memory_space<vmem>> -> memref<128xi32, #tpu.memory_space<vmem>>
      %dma_start3A_106 = arith.constant 0 : i32
      %dma_start3A_107 = arith.constant 0 : i32
      %dma_start3A_108 = tpu.memref_slice %arg14[%dma_start3A_106, %dma_start3A_107] : memref<8192x128xf32, #tpu.memory_space<vmem_shared>> -> memref<8192x128xf32, #tpu.memory_space<vmem_shared>>
      tpu.enqueue_indirect_dma source(%arg11 : memref<128x128xf32, #tpu.memory_space<vmem>>) target(%dma_start3A_108 : memref<8192x128xf32, #tpu.memory_space<vmem_shared>>) offsets(%dma_start3A_105 : memref<128xi32, #tpu.memory_space<vmem>>) semaphore(%arg18 : memref<!tpu.dma_semaphore, #tpu.memory_space<semaphore_mem>>) {add = true}
      %gt3A_109 = arith.constant 0 : i32
      %gt3A_110 = arith.cmpi sgt, %scan3A_98, %gt3A_109 : i32
      %convert_element_type3A_111 = arith.extui %gt3A_110 : i1 to i32
      %cond3A_112 = arith.constant 0 : i32
      %cond3A_113 = arith.cmpi ne, %convert_element_type3A_111, %cond3A_112 : i32
      scf.if %cond3A_113 {
        %dma_wait3A_122 = arith.constant 0 : i32
        %dma_wait3A_123 = arith.constant 0 : i32
        %dma_wait3A_124 = tpu.memref_slice %arg10[%dma_wait3A_122, %dma_wait3A_123] : memref<32x128xi32, #tpu.memory_space<vmem>> -> memref<1x128xi32, #tpu.memory_space<vmem>>
        %dma_wait3A_125 = tpu.memref_squeeze %dma_wait3A_124 : memref<1x128xi32, #tpu.memory_space<vmem>> -> memref<128xi32, #tpu.memory_space<vmem>>
        %dma_wait3A_126 = arith.constant 0 : i32
        %dma_wait3A_127 = arith.constant 0 : i32
        %dma_wait3A_128 = tpu.memref_slice %arg14[%dma_wait3A_126, %dma_wait3A_127] : memref<8192x128xf32, #tpu.memory_space<vmem_shared>> -> memref<8192x128xf32, #tpu.memory_space<vmem_shared>>
        tpu.wait_indirect_dma semaphore(%arg19 : memref<!tpu.dma_semaphore, #tpu.memory_space<semaphore_mem>>) src(%arg11 : memref<128x128xf32, #tpu.memory_space<vmem>>) dst(%dma_wait3A_128 : memref<8192x128xf32, #tpu.memory_space<vmem_shared>>)
      } else {
      }
      %add3A_114 = arith.constant 1 : i32
      %add3A_115 = arith.addi %mul3A_100, %add3A_114 : i32
      %dma_start3A_116 = arith.constant 0 : i32
      %dma_start3A_117 = tpu.memref_slice %arg10[%add3A_115, %dma_start3A_116] : memref<32x128xi32, #tpu.memory_space<vmem>> -> memref<1x128xi32, #tpu.memory_space<vmem>>
      %dma_start3A_118 = tpu.memref_squeeze %dma_start3A_117 : memref<1x128xi32, #tpu.memory_space<vmem>> -> memref<128xi32, #tpu.memory_space<vmem>>
      %dma_start3A_119 = arith.constant 0 : i32
      %dma_start3A_120 = arith.constant 0 : i32
      %dma_start3A_121 = tpu.memref_slice %arg14[%dma_start3A_119, %dma_start3A_120] : memref<8192x128xf32, #tpu.memory_space<vmem_shared>> -> memref<8192x128xf32, #tpu.memory_space<vmem_shared>>
      tpu.enqueue_indirect_dma source(%arg11 : memref<128x128xf32, #tpu.memory_space<vmem>>) target(%dma_start3A_121 : memref<8192x128xf32, #tpu.memory_space<vmem_shared>>) offsets(%dma_start3A_118 : memref<128xi32, #tpu.memory_space<vmem>>) semaphore(%arg19 : memref<!tpu.dma_semaphore, #tpu.memory_space<semaphore_mem>>) {add = true}
    }
    %scan3A_9 = arith.constant 16 : i32
    %dma_wait3A = arith.constant 0 : i32
    %dma_wait3A_10 = arith.constant 0 : i32
    %dma_wait3A_11 = tpu.memref_slice %arg10[%dma_wait3A, %dma_wait3A_10] : memref<32x128xi32, #tpu.memory_space<vmem>> -> memref<1x128xi32, #tpu.memory_space<vmem>>
    %dma_wait3A_12 = tpu.memref_squeeze %dma_wait3A_11 : memref<1x128xi32, #tpu.memory_space<vmem>> -> memref<128xi32, #tpu.memory_space<vmem>>
    %dma_wait3A_13 = arith.constant 0 : i32
    %dma_wait3A_14 = arith.constant 0 : i32
    %dma_wait3A_15 = tpu.memref_slice %arg14[%dma_wait3A_13, %dma_wait3A_14] : memref<8192x128xf32, #tpu.memory_space<vmem_shared>> -> memref<8192x128xf32, #tpu.memory_space<vmem_shared>>
    tpu.wait_indirect_dma semaphore(%arg18 : memref<!tpu.dma_semaphore, #tpu.memory_space<semaphore_mem>>) src(%arg11 : memref<128x128xf32, #tpu.memory_space<vmem>>) dst(%dma_wait3A_15 : memref<8192x128xf32, #tpu.memory_space<vmem_shared>>)
    %dma_wait3A_16 = arith.constant 0 : i32
    %dma_wait3A_17 = arith.constant 0 : i32
    %dma_wait3A_18 = tpu.memref_slice %arg10[%dma_wait3A_16, %dma_wait3A_17] : memref<32x128xi32, #tpu.memory_space<vmem>> -> memref<1x128xi32, #tpu.memory_space<vmem>>
    %dma_wait3A_19 = tpu.memref_squeeze %dma_wait3A_18 : memref<1x128xi32, #tpu.memory_space<vmem>> -> memref<128xi32, #tpu.memory_space<vmem>>
    %dma_wait3A_20 = arith.constant 0 : i32
    %dma_wait3A_21 = arith.constant 0 : i32
    %dma_wait3A_22 = tpu.memref_slice %arg14[%dma_wait3A_20, %dma_wait3A_21] : memref<8192x128xf32, #tpu.memory_space<vmem_shared>> -> memref<8192x128xf32, #tpu.memory_space<vmem_shared>>
    tpu.wait_indirect_dma semaphore(%arg19 : memref<!tpu.dma_semaphore, #tpu.memory_space<semaphore_mem>>) src(%arg11 : memref<128x128xf32, #tpu.memory_space<vmem>>) dst(%dma_wait3A_22 : memref<8192x128xf32, #tpu.memory_space<vmem_shared>>)
    %barrier3A_23 = arith.constant 0 : index
    tpu.barrier barrier_id(%barrier3A_23)
    %mul3A_24 = arith.constant 8192 : i32
    %mul3A_25 = arith.muli %arg0, %mul3A_24 : i32
    %add3A_26 = arith.addi %mul3A_25, %mul3A_2 : i32
    %multiple_of3A_27 = tpu.assume_multiple %add3A_26, 512 : i32
    "tpu.region"() ({
      %run_scoped3A = tpu.sem_alloc : memref<!tpu.dma_semaphore, #tpu.memory_space<semaphore_mem>>
      %dma_start3A_98 = arith.constant 0 : i32
      %dma_start3A_99 = tpu.memref_slice %arg8[%multiple_of3A_27, %dma_start3A_98] : memref<16384x128xf32, #tpu.memory_space<hbm>> -> memref<512x128xf32, #tpu.memory_space<hbm>>
      %dma_start3A_100 = arith.constant 0 : i32
      %dma_start3A_101 = tpu.memref_slice %arg14[%mul3A_2, %dma_start3A_100] : memref<8192x128xf32, #tpu.memory_space<vmem_shared>> -> memref<512x128xf32, #tpu.memory_space<vmem_shared>>
      tpu.enqueue_dma source(%dma_start3A_101 : memref<512x128xf32, #tpu.memory_space<vmem_shared>>) target(%dma_start3A_99 : memref<512x128xf32, #tpu.memory_space<hbm>>) target_semaphore(%run_scoped3A : memref<!tpu.dma_semaphore, #tpu.memory_space<semaphore_mem>>)
      %dma_wait3A_102 = arith.constant 0 : i32
      %dma_wait3A_103 = tpu.memref_slice %arg8[%multiple_of3A_27, %dma_wait3A_102] : memref<16384x128xf32, #tpu.memory_space<hbm>> -> memref<512x128xf32, #tpu.memory_space<hbm>>
      %dma_wait3A_104 = arith.constant 0 : i32
      %dma_wait3A_105 = tpu.memref_slice %arg14[%mul3A_2, %dma_wait3A_104] : memref<8192x128xf32, #tpu.memory_space<vmem_shared>> -> memref<512x128xf32, #tpu.memory_space<vmem_shared>>
      tpu.wait_dma2 semaphore(%run_scoped3A : memref<!tpu.dma_semaphore, #tpu.memory_space<semaphore_mem>>) src(%dma_wait3A_105 : memref<512x128xf32, #tpu.memory_space<vmem_shared>>) dst(%dma_wait3A_103 : memref<512x128xf32, #tpu.memory_space<hbm>>)
      tpu.yield
    }) : () -> ()
    "tpu.region"() ({
      %run_scoped3A = tpu.sem_alloc : memref<!tpu.dma_semaphore, #tpu.memory_space<semaphore_mem>>
      %dma_start3A_98 = arith.constant 0 : i32
      %dma_start3A_99 = tpu.memref_slice %arg14[%mul3A_2, %dma_start3A_98] : memref<8192x128xf32, #tpu.memory_space<vmem_shared>> -> memref<512x128xf32, #tpu.memory_space<vmem_shared>>
      %dma_start3A_100 = arith.constant 0 : i32
      %dma_start3A_101 = tpu.memref_slice %arg5[%mul3A_2, %dma_start3A_100] : memref<8192x128xf32, #tpu.memory_space<hbm>> -> memref<512x128xf32, #tpu.memory_space<hbm>>
      tpu.enqueue_dma source(%dma_start3A_101 : memref<512x128xf32, #tpu.memory_space<hbm>>) target(%dma_start3A_99 : memref<512x128xf32, #tpu.memory_space<vmem_shared>>) target_semaphore(%run_scoped3A : memref<!tpu.dma_semaphore, #tpu.memory_space<semaphore_mem>>)
      %dma_wait3A_102 = arith.constant 0 : i32
      %dma_wait3A_103 = tpu.memref_slice %arg14[%mul3A_2, %dma_wait3A_102] : memref<8192x128xf32, #tpu.memory_space<vmem_shared>> -> memref<512x128xf32, #tpu.memory_space<vmem_shared>>
      %dma_wait3A_104 = arith.constant 0 : i32
      %dma_wait3A_105 = tpu.memref_slice %arg5[%mul3A_2, %dma_wait3A_104] : memref<8192x128xf32, #tpu.memory_space<hbm>> -> memref<512x128xf32, #tpu.memory_space<hbm>>
      tpu.wait_dma2 semaphore(%run_scoped3A : memref<!tpu.dma_semaphore, #tpu.memory_space<semaphore_mem>>) src(%dma_wait3A_105 : memref<512x128xf32, #tpu.memory_space<hbm>>) dst(%dma_wait3A_103 : memref<512x128xf32, #tpu.memory_space<vmem_shared>>)
      tpu.yield
    }) : () -> ()
    %barrier3A_28 = arith.constant 0 : index
    tpu.barrier barrier_id(%barrier3A_28)
    %dma_start3A = arith.constant 0 : i32
    %dma_start3A_29 = arith.constant 0 : i32
    %dma_start3A_30 = tpu.memref_slice %arg9[%dma_start3A, %dma_start3A_29] : memref<32x128xi32, #tpu.memory_space<vmem>> -> memref<1x128xi32, #tpu.memory_space<vmem>>
    %dma_start3A_31 = tpu.memref_squeeze %dma_start3A_30 : memref<1x128xi32, #tpu.memory_space<vmem>> -> memref<128xi32, #tpu.memory_space<vmem>>
    %dma_start3A_32 = arith.constant 0 : i32
    %dma_start3A_33 = arith.constant 0 : i32
    %dma_start3A_34 = tpu.memref_slice %arg2[%dma_start3A_32, %dma_start3A_33] : memref<8192x128xf32, #tpu.memory_space<hbm>> -> memref<8192x128xf32, #tpu.memory_space<hbm>>
    tpu.enqueue_indirect_dma source(%dma_start3A_34 : memref<8192x128xf32, #tpu.memory_space<hbm>>) target(%arg11 : memref<128x128xf32, #tpu.memory_space<vmem>>) offsets(%dma_start3A_31 : memref<128xi32, #tpu.memory_space<vmem>>) semaphore(%arg15 : memref<!tpu.dma_semaphore, #tpu.memory_space<semaphore_mem>>)
    %dma_start3A_35 = arith.constant 1 : i32
    %dma_start3A_36 = arith.constant 0 : i32
    %dma_start3A_37 = tpu.memref_slice %arg9[%dma_start3A_35, %dma_start3A_36] : memref<32x128xi32, #tpu.memory_space<vmem>> -> memref<1x128xi32, #tpu.memory_space<vmem>>
    %dma_start3A_38 = tpu.memref_squeeze %dma_start3A_37 : memref<1x128xi32, #tpu.memory_space<vmem>> -> memref<128xi32, #tpu.memory_space<vmem>>
    %dma_start3A_39 = arith.constant 0 : i32
    %dma_start3A_40 = arith.constant 0 : i32
    %dma_start3A_41 = tpu.memref_slice %arg2[%dma_start3A_39, %dma_start3A_40] : memref<8192x128xf32, #tpu.memory_space<hbm>> -> memref<8192x128xf32, #tpu.memory_space<hbm>>
    tpu.enqueue_indirect_dma source(%dma_start3A_41 : memref<8192x128xf32, #tpu.memory_space<hbm>>) target(%arg12 : memref<128x128xf32, #tpu.memory_space<vmem>>) offsets(%dma_start3A_38 : memref<128xi32, #tpu.memory_space<vmem>>) semaphore(%arg16 : memref<!tpu.dma_semaphore, #tpu.memory_space<semaphore_mem>>)
    %scan3A_42 = arith.constant 0 : i32
    %scan3A_43 = arith.constant 0 : i32
    %scan3A_44 = arith.constant 10 : i32
    %scan3A_45 = arith.addi %scan3A_43, %scan3A_44 : i32
    %scan3A_46 = arith.constant 1 : i32
    scf.for %scan3A_98 = %scan3A_43 to %scan3A_45 step %scan3A_46  : i32 {
      %mul3A_99 = arith.constant 3 : i32
      %mul3A_100 = arith.muli %mul3A_99, %scan3A_98 : i32
      %add3A_101 = arith.constant 0 : i32
      %add3A_102 = arith.addi %mul3A_100, %add3A_101 : i32
      %dma_wait3A_103 = arith.constant 0 : i32
      %dma_wait3A_104 = arith.constant 0 : i32
      %dma_wait3A_105 = tpu.memref_slice %arg9[%dma_wait3A_103, %dma_wait3A_104] : memref<32x128xi32, #tpu.memory_space<vmem>> -> memref<1x128xi32, #tpu.memory_space<vmem>>
      %dma_wait3A_106 = tpu.memref_squeeze %dma_wait3A_105 : memref<1x128xi32, #tpu.memory_space<vmem>> -> memref<128xi32, #tpu.memory_space<vmem>>
      %dma_wait3A_107 = arith.constant 0 : i32
      %dma_wait3A_108 = arith.constant 0 : i32
      %dma_wait3A_109 = tpu.memref_slice %arg2[%dma_wait3A_107, %dma_wait3A_108] : memref<8192x128xf32, #tpu.memory_space<hbm>> -> memref<8192x128xf32, #tpu.memory_space<hbm>>
      tpu.wait_indirect_dma semaphore(%arg15 : memref<!tpu.dma_semaphore, #tpu.memory_space<semaphore_mem>>) src(%dma_wait3A_109 : memref<8192x128xf32, #tpu.memory_space<hbm>>) dst(%arg11 : memref<128x128xf32, #tpu.memory_space<vmem>>)
      %dma_start3A_110 = arith.constant 0 : i32
      %dma_start3A_111 = tpu.memref_slice %arg10[%add3A_102, %dma_start3A_110] : memref<32x128xi32, #tpu.memory_space<vmem>> -> memref<1x128xi32, #tpu.memory_space<vmem>>
      %dma_start3A_112 = tpu.memref_squeeze %dma_start3A_111 : memref<1x128xi32, #tpu.memory_space<vmem>> -> memref<128xi32, #tpu.memory_space<vmem>>
      %dma_start3A_113 = arith.constant 0 : i32
      %dma_start3A_114 = arith.constant 0 : i32
      %dma_start3A_115 = tpu.memref_slice %arg14[%dma_start3A_113, %dma_start3A_114] : memref<8192x128xf32, #tpu.memory_space<vmem_shared>> -> memref<8192x128xf32, #tpu.memory_space<vmem_shared>>
      tpu.enqueue_indirect_dma source(%arg11 : memref<128x128xf32, #tpu.memory_space<vmem>>) target(%dma_start3A_115 : memref<8192x128xf32, #tpu.memory_space<vmem_shared>>) offsets(%dma_start3A_112 : memref<128xi32, #tpu.memory_space<vmem>>) semaphore(%arg18 : memref<!tpu.dma_semaphore, #tpu.memory_space<semaphore_mem>>) {add = true}
      %gt3A = arith.constant 0 : i32
      %gt3A_116 = arith.cmpi sgt, %scan3A_98, %gt3A : i32
      %convert_element_type3A = arith.extui %gt3A_116 : i1 to i32
      %cond3A = arith.constant 0 : i32
      %cond3A_117 = arith.cmpi ne, %convert_element_type3A, %cond3A : i32
      scf.if %cond3A_117 {
        %dma_wait3A_190 = arith.constant 0 : i32
        %dma_wait3A_191 = arith.constant 0 : i32
        %dma_wait3A_192 = tpu.memref_slice %arg10[%dma_wait3A_190, %dma_wait3A_191] : memref<32x128xi32, #tpu.memory_space<vmem>> -> memref<1x128xi32, #tpu.memory_space<vmem>>
        %dma_wait3A_193 = tpu.memref_squeeze %dma_wait3A_192 : memref<1x128xi32, #tpu.memory_space<vmem>> -> memref<128xi32, #tpu.memory_space<vmem>>
        %dma_wait3A_194 = arith.constant 0 : i32
        %dma_wait3A_195 = arith.constant 0 : i32
        %dma_wait3A_196 = tpu.memref_slice %arg14[%dma_wait3A_194, %dma_wait3A_195] : memref<8192x128xf32, #tpu.memory_space<vmem_shared>> -> memref<8192x128xf32, #tpu.memory_space<vmem_shared>>
        tpu.wait_indirect_dma semaphore(%arg20 : memref<!tpu.dma_semaphore, #tpu.memory_space<semaphore_mem>>) src(%arg13 : memref<128x128xf32, #tpu.memory_space<vmem>>) dst(%dma_wait3A_196 : memref<8192x128xf32, #tpu.memory_space<vmem_shared>>)
      } else {
      }
      %add3A_118 = arith.constant 2 : i32
      %add3A_119 = arith.addi %add3A_102, %add3A_118 : i32
      %dma_start3A_120 = arith.constant 0 : i32
      %dma_start3A_121 = tpu.memref_slice %arg9[%add3A_119, %dma_start3A_120] : memref<32x128xi32, #tpu.memory_space<vmem>> -> memref<1x128xi32, #tpu.memory_space<vmem>>
      %dma_start3A_122 = tpu.memref_squeeze %dma_start3A_121 : memref<1x128xi32, #tpu.memory_space<vmem>> -> memref<128xi32, #tpu.memory_space<vmem>>
      %dma_start3A_123 = arith.constant 0 : i32
      %dma_start3A_124 = arith.constant 0 : i32
      %dma_start3A_125 = tpu.memref_slice %arg2[%dma_start3A_123, %dma_start3A_124] : memref<8192x128xf32, #tpu.memory_space<hbm>> -> memref<8192x128xf32, #tpu.memory_space<hbm>>
      tpu.enqueue_indirect_dma source(%dma_start3A_125 : memref<8192x128xf32, #tpu.memory_space<hbm>>) target(%arg13 : memref<128x128xf32, #tpu.memory_space<vmem>>) offsets(%dma_start3A_122 : memref<128xi32, #tpu.memory_space<vmem>>) semaphore(%arg17 : memref<!tpu.dma_semaphore, #tpu.memory_space<semaphore_mem>>)
      %mul3A_126 = arith.constant 3 : i32
      %mul3A_127 = arith.muli %mul3A_126, %scan3A_98 : i32
      %add3A_128 = arith.constant 1 : i32
      %add3A_129 = arith.addi %mul3A_127, %add3A_128 : i32
      %dma_wait3A_130 = arith.constant 0 : i32
      %dma_wait3A_131 = arith.constant 0 : i32
      %dma_wait3A_132 = tpu.memref_slice %arg9[%dma_wait3A_130, %dma_wait3A_131] : memref<32x128xi32, #tpu.memory_space<vmem>> -> memref<1x128xi32, #tpu.memory_space<vmem>>
      %dma_wait3A_133 = tpu.memref_squeeze %dma_wait3A_132 : memref<1x128xi32, #tpu.memory_space<vmem>> -> memref<128xi32, #tpu.memory_space<vmem>>
      %dma_wait3A_134 = arith.constant 0 : i32
      %dma_wait3A_135 = arith.constant 0 : i32
      %dma_wait3A_136 = tpu.memref_slice %arg2[%dma_wait3A_134, %dma_wait3A_135] : memref<8192x128xf32, #tpu.memory_space<hbm>> -> memref<8192x128xf32, #tpu.memory_space<hbm>>
      tpu.wait_indirect_dma semaphore(%arg16 : memref<!tpu.dma_semaphore, #tpu.memory_space<semaphore_mem>>) src(%dma_wait3A_136 : memref<8192x128xf32, #tpu.memory_space<hbm>>) dst(%arg12 : memref<128x128xf32, #tpu.memory_space<vmem>>)
      %dma_start3A_137 = arith.constant 0 : i32
      %dma_start3A_138 = tpu.memref_slice %arg10[%add3A_129, %dma_start3A_137] : memref<32x128xi32, #tpu.memory_space<vmem>> -> memref<1x128xi32, #tpu.memory_space<vmem>>
      %dma_start3A_139 = tpu.memref_squeeze %dma_start3A_138 : memref<1x128xi32, #tpu.memory_space<vmem>> -> memref<128xi32, #tpu.memory_space<vmem>>
      %dma_start3A_140 = arith.constant 0 : i32
      %dma_start3A_141 = arith.constant 0 : i32
      %dma_start3A_142 = tpu.memref_slice %arg14[%dma_start3A_140, %dma_start3A_141] : memref<8192x128xf32, #tpu.memory_space<vmem_shared>> -> memref<8192x128xf32, #tpu.memory_space<vmem_shared>>
      tpu.enqueue_indirect_dma source(%arg12 : memref<128x128xf32, #tpu.memory_space<vmem>>) target(%dma_start3A_142 : memref<8192x128xf32, #tpu.memory_space<vmem_shared>>) offsets(%dma_start3A_139 : memref<128xi32, #tpu.memory_space<vmem>>) semaphore(%arg19 : memref<!tpu.dma_semaphore, #tpu.memory_space<semaphore_mem>>) {add = true}
      %dma_wait3A_143 = arith.constant 0 : i32
      %dma_wait3A_144 = arith.constant 0 : i32
      %dma_wait3A_145 = tpu.memref_slice %arg10[%dma_wait3A_143, %dma_wait3A_144] : memref<32x128xi32, #tpu.memory_space<vmem>> -> memref<1x128xi32, #tpu.memory_space<vmem>>
      %dma_wait3A_146 = tpu.memref_squeeze %dma_wait3A_145 : memref<1x128xi32, #tpu.memory_space<vmem>> -> memref<128xi32, #tpu.memory_space<vmem>>
      %dma_wait3A_147 = arith.constant 0 : i32
      %dma_wait3A_148 = arith.constant 0 : i32
      %dma_wait3A_149 = tpu.memref_slice %arg14[%dma_wait3A_147, %dma_wait3A_148] : memref<8192x128xf32, #tpu.memory_space<vmem_shared>> -> memref<8192x128xf32, #tpu.memory_space<vmem_shared>>
      tpu.wait_indirect_dma semaphore(%arg18 : memref<!tpu.dma_semaphore, #tpu.memory_space<semaphore_mem>>) src(%arg11 : memref<128x128xf32, #tpu.memory_space<vmem>>) dst(%dma_wait3A_149 : memref<8192x128xf32, #tpu.memory_space<vmem_shared>>)
      %add3A_150 = arith.constant 2 : i32
      %add3A_151 = arith.addi %add3A_129, %add3A_150 : i32
      %dma_start3A_152 = arith.constant 0 : i32
      %dma_start3A_153 = tpu.memref_slice %arg9[%add3A_151, %dma_start3A_152] : memref<32x128xi32, #tpu.memory_space<vmem>> -> memref<1x128xi32, #tpu.memory_space<vmem>>
      %dma_start3A_154 = tpu.memref_squeeze %dma_start3A_153 : memref<1x128xi32, #tpu.memory_space<vmem>> -> memref<128xi32, #tpu.memory_space<vmem>>
      %dma_start3A_155 = arith.constant 0 : i32
      %dma_start3A_156 = arith.constant 0 : i32
      %dma_start3A_157 = tpu.memref_slice %arg2[%dma_start3A_155, %dma_start3A_156] : memref<8192x128xf32, #tpu.memory_space<hbm>> -> memref<8192x128xf32, #tpu.memory_space<hbm>>
      tpu.enqueue_indirect_dma source(%dma_start3A_157 : memref<8192x128xf32, #tpu.memory_space<hbm>>) target(%arg11 : memref<128x128xf32, #tpu.memory_space<vmem>>) offsets(%dma_start3A_154 : memref<128xi32, #tpu.memory_space<vmem>>) semaphore(%arg15 : memref<!tpu.dma_semaphore, #tpu.memory_space<semaphore_mem>>)
      %mul3A_158 = arith.constant 3 : i32
      %mul3A_159 = arith.muli %mul3A_158, %scan3A_98 : i32
      %add3A_160 = arith.constant 2 : i32
      %add3A_161 = arith.addi %mul3A_159, %add3A_160 : i32
      %dma_wait3A_162 = arith.constant 0 : i32
      %dma_wait3A_163 = arith.constant 0 : i32
      %dma_wait3A_164 = tpu.memref_slice %arg9[%dma_wait3A_162, %dma_wait3A_163] : memref<32x128xi32, #tpu.memory_space<vmem>> -> memref<1x128xi32, #tpu.memory_space<vmem>>
      %dma_wait3A_165 = tpu.memref_squeeze %dma_wait3A_164 : memref<1x128xi32, #tpu.memory_space<vmem>> -> memref<128xi32, #tpu.memory_space<vmem>>
      %dma_wait3A_166 = arith.constant 0 : i32
      %dma_wait3A_167 = arith.constant 0 : i32
      %dma_wait3A_168 = tpu.memref_slice %arg2[%dma_wait3A_166, %dma_wait3A_167] : memref<8192x128xf32, #tpu.memory_space<hbm>> -> memref<8192x128xf32, #tpu.memory_space<hbm>>
      tpu.wait_indirect_dma semaphore(%arg17 : memref<!tpu.dma_semaphore, #tpu.memory_space<semaphore_mem>>) src(%dma_wait3A_168 : memref<8192x128xf32, #tpu.memory_space<hbm>>) dst(%arg13 : memref<128x128xf32, #tpu.memory_space<vmem>>)
      %dma_start3A_169 = arith.constant 0 : i32
      %dma_start3A_170 = tpu.memref_slice %arg10[%add3A_161, %dma_start3A_169] : memref<32x128xi32, #tpu.memory_space<vmem>> -> memref<1x128xi32, #tpu.memory_space<vmem>>
      %dma_start3A_171 = tpu.memref_squeeze %dma_start3A_170 : memref<1x128xi32, #tpu.memory_space<vmem>> -> memref<128xi32, #tpu.memory_space<vmem>>
      %dma_start3A_172 = arith.constant 0 : i32
      %dma_start3A_173 = arith.constant 0 : i32
      %dma_start3A_174 = tpu.memref_slice %arg14[%dma_start3A_172, %dma_start3A_173] : memref<8192x128xf32, #tpu.memory_space<vmem_shared>> -> memref<8192x128xf32, #tpu.memory_space<vmem_shared>>
      tpu.enqueue_indirect_dma source(%arg13 : memref<128x128xf32, #tpu.memory_space<vmem>>) target(%dma_start3A_174 : memref<8192x128xf32, #tpu.memory_space<vmem_shared>>) offsets(%dma_start3A_171 : memref<128xi32, #tpu.memory_space<vmem>>) semaphore(%arg20 : memref<!tpu.dma_semaphore, #tpu.memory_space<semaphore_mem>>) {add = true}
      %dma_wait3A_175 = arith.constant 0 : i32
      %dma_wait3A_176 = arith.constant 0 : i32
      %dma_wait3A_177 = tpu.memref_slice %arg10[%dma_wait3A_175, %dma_wait3A_176] : memref<32x128xi32, #tpu.memory_space<vmem>> -> memref<1x128xi32, #tpu.memory_space<vmem>>
      %dma_wait3A_178 = tpu.memref_squeeze %dma_wait3A_177 : memref<1x128xi32, #tpu.memory_space<vmem>> -> memref<128xi32, #tpu.memory_space<vmem>>
      %dma_wait3A_179 = arith.constant 0 : i32
      %dma_wait3A_180 = arith.constant 0 : i32
      %dma_wait3A_181 = tpu.memref_slice %arg14[%dma_wait3A_179, %dma_wait3A_180] : memref<8192x128xf32, #tpu.memory_space<vmem_shared>> -> memref<8192x128xf32, #tpu.memory_space<vmem_shared>>
      tpu.wait_indirect_dma semaphore(%arg19 : memref<!tpu.dma_semaphore, #tpu.memory_space<semaphore_mem>>) src(%arg12 : memref<128x128xf32, #tpu.memory_space<vmem>>) dst(%dma_wait3A_181 : memref<8192x128xf32, #tpu.memory_space<vmem_shared>>)
      %add3A_182 = arith.constant 2 : i32
      %add3A_183 = arith.addi %add3A_161, %add3A_182 : i32
      %dma_start3A_184 = arith.constant 0 : i32
      %dma_start3A_185 = tpu.memref_slice %arg9[%add3A_183, %dma_start3A_184] : memref<32x128xi32, #tpu.memory_space<vmem>> -> memref<1x128xi32, #tpu.memory_space<vmem>>
      %dma_start3A_186 = tpu.memref_squeeze %dma_start3A_185 : memref<1x128xi32, #tpu.memory_space<vmem>> -> memref<128xi32, #tpu.memory_space<vmem>>
      %dma_start3A_187 = arith.constant 0 : i32
      %dma_start3A_188 = arith.constant 0 : i32
      %dma_start3A_189 = tpu.memref_slice %arg2[%dma_start3A_187, %dma_start3A_188] : memref<8192x128xf32, #tpu.memory_space<hbm>> -> memref<8192x128xf32, #tpu.memory_space<hbm>>
      tpu.enqueue_indirect_dma source(%dma_start3A_189 : memref<8192x128xf32, #tpu.memory_space<hbm>>) target(%arg12 : memref<128x128xf32, #tpu.memory_space<vmem>>) offsets(%dma_start3A_186 : memref<128xi32, #tpu.memory_space<vmem>>) semaphore(%arg16 : memref<!tpu.dma_semaphore, #tpu.memory_space<semaphore_mem>>)
    }
    %scan3A_47 = arith.constant 10 : i32
    %dma_wait3A_48 = arith.constant 0 : i32
    %dma_wait3A_49 = arith.constant 0 : i32
    %dma_wait3A_50 = tpu.memref_slice %arg9[%dma_wait3A_48, %dma_wait3A_49] : memref<32x128xi32, #tpu.memory_space<vmem>> -> memref<1x128xi32, #tpu.memory_space<vmem>>
    %dma_wait3A_51 = tpu.memref_squeeze %dma_wait3A_50 : memref<1x128xi32, #tpu.memory_space<vmem>> -> memref<128xi32, #tpu.memory_space<vmem>>
    %dma_wait3A_52 = arith.constant 0 : i32
    %dma_wait3A_53 = arith.constant 0 : i32
    %dma_wait3A_54 = tpu.memref_slice %arg2[%dma_wait3A_52, %dma_wait3A_53] : memref<8192x128xf32, #tpu.memory_space<hbm>> -> memref<8192x128xf32, #tpu.memory_space<hbm>>
    tpu.wait_indirect_dma semaphore(%arg15 : memref<!tpu.dma_semaphore, #tpu.memory_space<semaphore_mem>>) src(%dma_wait3A_54 : memref<8192x128xf32, #tpu.memory_space<hbm>>) dst(%arg11 : memref<128x128xf32, #tpu.memory_space<vmem>>)
    %dma_start3A_55 = arith.constant 30 : i32
    %dma_start3A_56 = arith.constant 0 : i32
    %dma_start3A_57 = tpu.memref_slice %arg10[%dma_start3A_55, %dma_start3A_56] : memref<32x128xi32, #tpu.memory_space<vmem>> -> memref<1x128xi32, #tpu.memory_space<vmem>>
    %dma_start3A_58 = tpu.memref_squeeze %dma_start3A_57 : memref<1x128xi32, #tpu.memory_space<vmem>> -> memref<128xi32, #tpu.memory_space<vmem>>
    %dma_start3A_59 = arith.constant 0 : i32
    %dma_start3A_60 = arith.constant 0 : i32
    %dma_start3A_61 = tpu.memref_slice %arg14[%dma_start3A_59, %dma_start3A_60] : memref<8192x128xf32, #tpu.memory_space<vmem_shared>> -> memref<8192x128xf32, #tpu.memory_space<vmem_shared>>
    tpu.enqueue_indirect_dma source(%arg11 : memref<128x128xf32, #tpu.memory_space<vmem>>) target(%dma_start3A_61 : memref<8192x128xf32, #tpu.memory_space<vmem_shared>>) offsets(%dma_start3A_58 : memref<128xi32, #tpu.memory_space<vmem>>) semaphore(%arg18 : memref<!tpu.dma_semaphore, #tpu.memory_space<semaphore_mem>>) {add = true}
    %dma_wait3A_62 = arith.constant 0 : i32
    %dma_wait3A_63 = arith.constant 0 : i32
    %dma_wait3A_64 = tpu.memref_slice %arg9[%dma_wait3A_62, %dma_wait3A_63] : memref<32x128xi32, #tpu.memory_space<vmem>> -> memref<1x128xi32, #tpu.memory_space<vmem>>
    %dma_wait3A_65 = tpu.memref_squeeze %dma_wait3A_64 : memref<1x128xi32, #tpu.memory_space<vmem>> -> memref<128xi32, #tpu.memory_space<vmem>>
    %dma_wait3A_66 = arith.constant 0 : i32
    %dma_wait3A_67 = arith.constant 0 : i32
    %dma_wait3A_68 = tpu.memref_slice %arg2[%dma_wait3A_66, %dma_wait3A_67] : memref<8192x128xf32, #tpu.memory_space<hbm>> -> memref<8192x128xf32, #tpu.memory_space<hbm>>
    tpu.wait_indirect_dma semaphore(%arg16 : memref<!tpu.dma_semaphore, #tpu.memory_space<semaphore_mem>>) src(%dma_wait3A_68 : memref<8192x128xf32, #tpu.memory_space<hbm>>) dst(%arg12 : memref<128x128xf32, #tpu.memory_space<vmem>>)
    %dma_start3A_69 = arith.constant 31 : i32
    %dma_start3A_70 = arith.constant 0 : i32
    %dma_start3A_71 = tpu.memref_slice %arg10[%dma_start3A_69, %dma_start3A_70] : memref<32x128xi32, #tpu.memory_space<vmem>> -> memref<1x128xi32, #tpu.memory_space<vmem>>
    %dma_start3A_72 = tpu.memref_squeeze %dma_start3A_71 : memref<1x128xi32, #tpu.memory_space<vmem>> -> memref<128xi32, #tpu.memory_space<vmem>>
    %dma_start3A_73 = arith.constant 0 : i32
    %dma_start3A_74 = arith.constant 0 : i32
    %dma_start3A_75 = tpu.memref_slice %arg14[%dma_start3A_73, %dma_start3A_74] : memref<8192x128xf32, #tpu.memory_space<vmem_shared>> -> memref<8192x128xf32, #tpu.memory_space<vmem_shared>>
    tpu.enqueue_indirect_dma source(%arg12 : memref<128x128xf32, #tpu.memory_space<vmem>>) target(%dma_start3A_75 : memref<8192x128xf32, #tpu.memory_space<vmem_shared>>) offsets(%dma_start3A_72 : memref<128xi32, #tpu.memory_space<vmem>>) semaphore(%arg19 : memref<!tpu.dma_semaphore, #tpu.memory_space<semaphore_mem>>) {add = true}
    %dma_wait3A_76 = arith.constant 0 : i32
    %dma_wait3A_77 = arith.constant 0 : i32
    %dma_wait3A_78 = tpu.memref_slice %arg10[%dma_wait3A_76, %dma_wait3A_77] : memref<32x128xi32, #tpu.memory_space<vmem>> -> memref<1x128xi32, #tpu.memory_space<vmem>>
    %dma_wait3A_79 = tpu.memref_squeeze %dma_wait3A_78 : memref<1x128xi32, #tpu.memory_space<vmem>> -> memref<128xi32, #tpu.memory_space<vmem>>
    %dma_wait3A_80 = arith.constant 0 : i32
    %dma_wait3A_81 = arith.constant 0 : i32
    %dma_wait3A_82 = tpu.memref_slice %arg14[%dma_wait3A_80, %dma_wait3A_81] : memref<8192x128xf32, #tpu.memory_space<vmem_shared>> -> memref<8192x128xf32, #tpu.memory_space<vmem_shared>>
    tpu.wait_indirect_dma semaphore(%arg18 : memref<!tpu.dma_semaphore, #tpu.memory_space<semaphore_mem>>) src(%arg11 : memref<128x128xf32, #tpu.memory_space<vmem>>) dst(%dma_wait3A_82 : memref<8192x128xf32, #tpu.memory_space<vmem_shared>>)
    %dma_wait3A_83 = arith.constant 0 : i32
    %dma_wait3A_84 = arith.constant 0 : i32
    %dma_wait3A_85 = tpu.memref_slice %arg10[%dma_wait3A_83, %dma_wait3A_84] : memref<32x128xi32, #tpu.memory_space<vmem>> -> memref<1x128xi32, #tpu.memory_space<vmem>>
    %dma_wait3A_86 = tpu.memref_squeeze %dma_wait3A_85 : memref<1x128xi32, #tpu.memory_space<vmem>> -> memref<128xi32, #tpu.memory_space<vmem>>
    %dma_wait3A_87 = arith.constant 0 : i32
    %dma_wait3A_88 = arith.constant 0 : i32
    %dma_wait3A_89 = tpu.memref_slice %arg14[%dma_wait3A_87, %dma_wait3A_88] : memref<8192x128xf32, #tpu.memory_space<vmem_shared>> -> memref<8192x128xf32, #tpu.memory_space<vmem_shared>>
    tpu.wait_indirect_dma semaphore(%arg19 : memref<!tpu.dma_semaphore, #tpu.memory_space<semaphore_mem>>) src(%arg12 : memref<128x128xf32, #tpu.memory_space<vmem>>) dst(%dma_wait3A_89 : memref<8192x128xf32, #tpu.memory_space<vmem_shared>>)
    %dma_wait3A_90 = arith.constant 0 : i32
    %dma_wait3A_91 = arith.constant 0 : i32
    %dma_wait3A_92 = tpu.memref_slice %arg10[%dma_wait3A_90, %dma_wait3A_91] : memref<32x128xi32, #tpu.memory_space<vmem>> -> memref<1x128xi32, #tpu.memory_space<vmem>>
    %dma_wait3A_93 = tpu.memref_squeeze %dma_wait3A_92 : memref<1x128xi32, #tpu.memory_space<vmem>> -> memref<128xi32, #tpu.memory_space<vmem>>
    %dma_wait3A_94 = arith.constant 0 : i32
    %dma_wait3A_95 = arith.constant 0 : i32
    %dma_wait3A_96 = tpu.memref_slice %arg14[%dma_wait3A_94, %dma_wait3A_95] : memref<8192x128xf32, #tpu.memory_space<vmem_shared>> -> memref<8192x128xf32, #tpu.memory_space<vmem_shared>>
    tpu.wait_indirect_dma semaphore(%arg20 : memref<!tpu.dma_semaphore, #tpu.memory_space<semaphore_mem>>) src(%arg13 : memref<128x128xf32, #tpu.memory_space<vmem>>) dst(%dma_wait3A_96 : memref<8192x128xf32, #tpu.memory_space<vmem_shared>>)
    %barrier3A_97 = arith.constant 0 : index
    tpu.barrier barrier_id(%barrier3A_97)
    "tpu.region"() ({
      %run_scoped3A = tpu.sem_alloc : memref<!tpu.dma_semaphore, #tpu.memory_space<semaphore_mem>>
      %dma_start3A_98 = arith.constant 0 : i32
      %dma_start3A_99 = tpu.memref_slice %arg7[%multiple_of3A_27, %dma_start3A_98] : memref<16384x128xf32, #tpu.memory_space<hbm>> -> memref<512x128xf32, #tpu.memory_space<hbm>>
      %dma_start3A_100 = arith.constant 0 : i32
      %dma_start3A_101 = tpu.memref_slice %arg14[%mul3A_2, %dma_start3A_100] : memref<8192x128xf32, #tpu.memory_space<vmem_shared>> -> memref<512x128xf32, #tpu.memory_space<vmem_shared>>
      tpu.enqueue_dma source(%dma_start3A_101 : memref<512x128xf32, #tpu.memory_space<vmem_shared>>) target(%dma_start3A_99 : memref<512x128xf32, #tpu.memory_space<hbm>>) target_semaphore(%run_scoped3A : memref<!tpu.dma_semaphore, #tpu.memory_space<semaphore_mem>>)
      %dma_wait3A_102 = arith.constant 0 : i32
      %dma_wait3A_103 = tpu.memref_slice %arg7[%multiple_of3A_27, %dma_wait3A_102] : memref<16384x128xf32, #tpu.memory_space<hbm>> -> memref<512x128xf32, #tpu.memory_space<hbm>>
      %dma_wait3A_104 = arith.constant 0 : i32
      %dma_wait3A_105 = tpu.memref_slice %arg14[%mul3A_2, %dma_wait3A_104] : memref<8192x128xf32, #tpu.memory_space<vmem_shared>> -> memref<512x128xf32, #tpu.memory_space<vmem_shared>>
      tpu.wait_dma2 semaphore(%run_scoped3A : memref<!tpu.dma_semaphore, #tpu.memory_space<semaphore_mem>>) src(%dma_wait3A_105 : memref<512x128xf32, #tpu.memory_space<vmem_shared>>) dst(%dma_wait3A_103 : memref<512x128xf32, #tpu.memory_space<hbm>>)
      tpu.yield
    }) : () -> ()
    return
  }
}

#map = affine_map<(d0, d1) -> (0, 0)>
module attributes {stable_mosaic.version = 14 : i64} {
  func.func @sc_segsum(%arg0: i32, %arg1: i32, %arg2: memref<8192x128xf32, #tpu.memory_space<hbm>>, %arg3: memref<1024x128xi32, #tpu.memory_space<hbm>>, %arg4: memref<1024x128xi32, #tpu.memory_space<hbm>>, %arg5: memref<8192x128xf32, #tpu.memory_space<hbm>>, %arg6: memref<16384x128xf32, #tpu.memory_space<hbm>>, %arg7: memref<32x128xi32, #tpu.memory_space<vmem>>, %arg8: memref<32x128xi32, #tpu.memory_space<vmem>>, %arg9: memref<128x128xf32, #tpu.memory_space<vmem>>, %arg10: memref<128x128xf32, #tpu.memory_space<vmem>>, %arg11: memref<128x128xf32, #tpu.memory_space<vmem>>, %arg12: memref<8192x128xf32, #tpu.memory_space<vmem_shared>>, %arg13: memref<!tpu.dma_semaphore, #tpu.memory_space<semaphore_mem>>, %arg14: memref<!tpu.dma_semaphore, #tpu.memory_space<semaphore_mem>>, %arg15: memref<!tpu.dma_semaphore, #tpu.memory_space<semaphore_mem>>, %arg16: memref<!tpu.dma_semaphore, #tpu.memory_space<semaphore_mem>>, %arg17: memref<!tpu.dma_semaphore, #tpu.memory_space<semaphore_mem>>, %arg18: memref<!tpu.dma_semaphore, #tpu.memory_space<semaphore_mem>>) attributes {dimension_semantics = [#tpu.dimension_semantics<core_parallel>, #tpu.dimension_semantics<subcore_parallel>], iteration_bounds = array<i64: 2, 16>, scalar_prefetch = 0 : i64, scratch_operands = 12 : i64, tpu.core_type = #tpu.core_type<sc_vector_subcore>, window_params = [{transform_indices = #map}, {transform_indices = #map}, {transform_indices = #map}, {transform_indices = #map}, {transform_indices = #map}]} {
    %mul3A = arith.constant 2 : i32
    %mul3A_0 = arith.muli %arg1, %mul3A : i32
    %add3A = arith.addi %mul3A_0, %arg0 : i32
    %mul3A_1 = arith.constant 512 : i32
    %mul3A_2 = arith.muli %arg1, %mul3A_1 : i32
    "tpu.region"() ({
      %run_scoped3A = tpu.sem_alloc : memref<!tpu.dma_semaphore, #tpu.memory_space<semaphore_mem>>
      %dma_start3A_76 = arith.constant 0 : i32
      %dma_start3A_77 = tpu.memref_slice %arg12[%mul3A_2, %dma_start3A_76] : memref<8192x128xf32, #tpu.memory_space<vmem_shared>> -> memref<512x128xf32, #tpu.memory_space<vmem_shared>>
      %dma_start3A_78 = arith.constant 0 : i32
      %dma_start3A_79 = tpu.memref_slice %arg5[%mul3A_2, %dma_start3A_78] : memref<8192x128xf32, #tpu.memory_space<hbm>> -> memref<512x128xf32, #tpu.memory_space<hbm>>
      tpu.enqueue_dma source(%dma_start3A_79 : memref<512x128xf32, #tpu.memory_space<hbm>>) target(%dma_start3A_77 : memref<512x128xf32, #tpu.memory_space<vmem_shared>>) target_semaphore(%run_scoped3A : memref<!tpu.dma_semaphore, #tpu.memory_space<semaphore_mem>>)
      %dma_wait3A_80 = arith.constant 0 : i32
      %dma_wait3A_81 = tpu.memref_slice %arg12[%mul3A_2, %dma_wait3A_80] : memref<8192x128xf32, #tpu.memory_space<vmem_shared>> -> memref<512x128xf32, #tpu.memory_space<vmem_shared>>
      %dma_wait3A_82 = arith.constant 0 : i32
      %dma_wait3A_83 = tpu.memref_slice %arg5[%mul3A_2, %dma_wait3A_82] : memref<8192x128xf32, #tpu.memory_space<hbm>> -> memref<512x128xf32, #tpu.memory_space<hbm>>
      tpu.wait_dma2 semaphore(%run_scoped3A : memref<!tpu.dma_semaphore, #tpu.memory_space<semaphore_mem>>) src(%dma_wait3A_83 : memref<512x128xf32, #tpu.memory_space<hbm>>) dst(%dma_wait3A_81 : memref<512x128xf32, #tpu.memory_space<vmem_shared>>)
      tpu.yield
    }) : () -> ()
    %mul3A_3 = arith.constant 32 : i32
    %mul3A_4 = arith.muli %add3A, %mul3A_3 : i32
    %multiple_of3A = tpu.assume_multiple %mul3A_4, 32 : i32
    "tpu.region"() ({
      %run_scoped3A = tpu.sem_alloc : memref<!tpu.dma_semaphore, #tpu.memory_space<semaphore_mem>>
      %dma_start3A_76 = arith.constant 0 : i32
      %dma_start3A_77 = tpu.memref_slice %arg3[%multiple_of3A, %dma_start3A_76] : memref<1024x128xi32, #tpu.memory_space<hbm>> -> memref<32x128xi32, #tpu.memory_space<hbm>>
      %dma_start3A_78 = arith.constant 0 : i32
      %dma_start3A_79 = tpu.memref_slice %arg3[%multiple_of3A, %dma_start3A_78] : memref<1024x128xi32, #tpu.memory_space<hbm>> -> memref<32x128xi32, #tpu.memory_space<hbm>>
      tpu.enqueue_dma source(%dma_start3A_79 : memref<32x128xi32, #tpu.memory_space<hbm>>) target(%arg7 : memref<32x128xi32, #tpu.memory_space<vmem>>) target_semaphore(%run_scoped3A : memref<!tpu.dma_semaphore, #tpu.memory_space<semaphore_mem>>)
      %dma_wait3A_80 = arith.constant 0 : i32
      %dma_wait3A_81 = tpu.memref_slice %arg3[%multiple_of3A, %dma_wait3A_80] : memref<1024x128xi32, #tpu.memory_space<hbm>> -> memref<32x128xi32, #tpu.memory_space<hbm>>
      %dma_wait3A_82 = arith.constant 0 : i32
      %dma_wait3A_83 = tpu.memref_slice %arg3[%multiple_of3A, %dma_wait3A_82] : memref<1024x128xi32, #tpu.memory_space<hbm>> -> memref<32x128xi32, #tpu.memory_space<hbm>>
      tpu.wait_dma2 semaphore(%run_scoped3A : memref<!tpu.dma_semaphore, #tpu.memory_space<semaphore_mem>>) src(%dma_wait3A_83 : memref<32x128xi32, #tpu.memory_space<hbm>>) dst(%arg7 : memref<32x128xi32, #tpu.memory_space<vmem>>)
      tpu.yield
    }) : () -> ()
    "tpu.region"() ({
      %run_scoped3A = tpu.sem_alloc : memref<!tpu.dma_semaphore, #tpu.memory_space<semaphore_mem>>
      %dma_start3A_76 = arith.constant 0 : i32
      %dma_start3A_77 = tpu.memref_slice %arg4[%multiple_of3A, %dma_start3A_76] : memref<1024x128xi32, #tpu.memory_space<hbm>> -> memref<32x128xi32, #tpu.memory_space<hbm>>
      %dma_start3A_78 = arith.constant 0 : i32
      %dma_start3A_79 = tpu.memref_slice %arg4[%multiple_of3A, %dma_start3A_78] : memref<1024x128xi32, #tpu.memory_space<hbm>> -> memref<32x128xi32, #tpu.memory_space<hbm>>
      tpu.enqueue_dma source(%dma_start3A_79 : memref<32x128xi32, #tpu.memory_space<hbm>>) target(%arg8 : memref<32x128xi32, #tpu.memory_space<vmem>>) target_semaphore(%run_scoped3A : memref<!tpu.dma_semaphore, #tpu.memory_space<semaphore_mem>>)
      %dma_wait3A_80 = arith.constant 0 : i32
      %dma_wait3A_81 = tpu.memref_slice %arg4[%multiple_of3A, %dma_wait3A_80] : memref<1024x128xi32, #tpu.memory_space<hbm>> -> memref<32x128xi32, #tpu.memory_space<hbm>>
      %dma_wait3A_82 = arith.constant 0 : i32
      %dma_wait3A_83 = tpu.memref_slice %arg4[%multiple_of3A, %dma_wait3A_82] : memref<1024x128xi32, #tpu.memory_space<hbm>> -> memref<32x128xi32, #tpu.memory_space<hbm>>
      tpu.wait_dma2 semaphore(%run_scoped3A : memref<!tpu.dma_semaphore, #tpu.memory_space<semaphore_mem>>) src(%dma_wait3A_83 : memref<32x128xi32, #tpu.memory_space<hbm>>) dst(%arg8 : memref<32x128xi32, #tpu.memory_space<vmem>>)
      tpu.yield
    }) : () -> ()
    %barrier3A = arith.constant 0 : index
    tpu.barrier barrier_id(%barrier3A)
    %dma_start3A = arith.constant 0 : i32
    %dma_start3A_5 = arith.constant 0 : i32
    %dma_start3A_6 = tpu.memref_slice %arg7[%dma_start3A, %dma_start3A_5] : memref<32x128xi32, #tpu.memory_space<vmem>> -> memref<1x128xi32, #tpu.memory_space<vmem>>
    %dma_start3A_7 = tpu.memref_squeeze %dma_start3A_6 : memref<1x128xi32, #tpu.memory_space<vmem>> -> memref<128xi32, #tpu.memory_space<vmem>>
    %dma_start3A_8 = arith.constant 0 : i32
    %dma_start3A_9 = arith.constant 0 : i32
    %dma_start3A_10 = tpu.memref_slice %arg2[%dma_start3A_8, %dma_start3A_9] : memref<8192x128xf32, #tpu.memory_space<hbm>> -> memref<8192x128xf32, #tpu.memory_space<hbm>>
    tpu.enqueue_indirect_dma source(%dma_start3A_10 : memref<8192x128xf32, #tpu.memory_space<hbm>>) target(%arg9 : memref<128x128xf32, #tpu.memory_space<vmem>>) offsets(%dma_start3A_7 : memref<128xi32, #tpu.memory_space<vmem>>) semaphore(%arg13 : memref<!tpu.dma_semaphore, #tpu.memory_space<semaphore_mem>>)
    %dma_start3A_11 = arith.constant 1 : i32
    %dma_start3A_12 = arith.constant 0 : i32
    %dma_start3A_13 = tpu.memref_slice %arg7[%dma_start3A_11, %dma_start3A_12] : memref<32x128xi32, #tpu.memory_space<vmem>> -> memref<1x128xi32, #tpu.memory_space<vmem>>
    %dma_start3A_14 = tpu.memref_squeeze %dma_start3A_13 : memref<1x128xi32, #tpu.memory_space<vmem>> -> memref<128xi32, #tpu.memory_space<vmem>>
    %dma_start3A_15 = arith.constant 0 : i32
    %dma_start3A_16 = arith.constant 0 : i32
    %dma_start3A_17 = tpu.memref_slice %arg2[%dma_start3A_15, %dma_start3A_16] : memref<8192x128xf32, #tpu.memory_space<hbm>> -> memref<8192x128xf32, #tpu.memory_space<hbm>>
    tpu.enqueue_indirect_dma source(%dma_start3A_17 : memref<8192x128xf32, #tpu.memory_space<hbm>>) target(%arg10 : memref<128x128xf32, #tpu.memory_space<vmem>>) offsets(%dma_start3A_14 : memref<128xi32, #tpu.memory_space<vmem>>) semaphore(%arg14 : memref<!tpu.dma_semaphore, #tpu.memory_space<semaphore_mem>>)
    %scan3A = arith.constant 0 : i32
    %scan3A_18 = arith.constant 0 : i32
    %scan3A_19 = arith.constant 10 : i32
    %scan3A_20 = arith.addi %scan3A_18, %scan3A_19 : i32
    %scan3A_21 = arith.constant 1 : i32
    scf.for %scan3A_76 = %scan3A_18 to %scan3A_20 step %scan3A_21  : i32 {
      %mul3A_77 = arith.constant 3 : i32
      %mul3A_78 = arith.muli %mul3A_77, %scan3A_76 : i32
      %add3A_79 = arith.constant 0 : i32
      %add3A_80 = arith.addi %mul3A_78, %add3A_79 : i32
      %dma_wait3A_81 = arith.constant 0 : i32
      %dma_wait3A_82 = arith.constant 0 : i32
      %dma_wait3A_83 = tpu.memref_slice %arg7[%dma_wait3A_81, %dma_wait3A_82] : memref<32x128xi32, #tpu.memory_space<vmem>> -> memref<1x128xi32, #tpu.memory_space<vmem>>
      %dma_wait3A_84 = tpu.memref_squeeze %dma_wait3A_83 : memref<1x128xi32, #tpu.memory_space<vmem>> -> memref<128xi32, #tpu.memory_space<vmem>>
      %dma_wait3A_85 = arith.constant 0 : i32
      %dma_wait3A_86 = arith.constant 0 : i32
      %dma_wait3A_87 = tpu.memref_slice %arg2[%dma_wait3A_85, %dma_wait3A_86] : memref<8192x128xf32, #tpu.memory_space<hbm>> -> memref<8192x128xf32, #tpu.memory_space<hbm>>
      tpu.wait_indirect_dma semaphore(%arg13 : memref<!tpu.dma_semaphore, #tpu.memory_space<semaphore_mem>>) src(%dma_wait3A_87 : memref<8192x128xf32, #tpu.memory_space<hbm>>) dst(%arg9 : memref<128x128xf32, #tpu.memory_space<vmem>>)
      %dma_start3A_88 = arith.constant 0 : i32
      %dma_start3A_89 = tpu.memref_slice %arg8[%add3A_80, %dma_start3A_88] : memref<32x128xi32, #tpu.memory_space<vmem>> -> memref<1x128xi32, #tpu.memory_space<vmem>>
      %dma_start3A_90 = tpu.memref_squeeze %dma_start3A_89 : memref<1x128xi32, #tpu.memory_space<vmem>> -> memref<128xi32, #tpu.memory_space<vmem>>
      %dma_start3A_91 = arith.constant 0 : i32
      %dma_start3A_92 = arith.constant 0 : i32
      %dma_start3A_93 = tpu.memref_slice %arg12[%dma_start3A_91, %dma_start3A_92] : memref<8192x128xf32, #tpu.memory_space<vmem_shared>> -> memref<8192x128xf32, #tpu.memory_space<vmem_shared>>
      tpu.enqueue_indirect_dma source(%arg9 : memref<128x128xf32, #tpu.memory_space<vmem>>) target(%dma_start3A_93 : memref<8192x128xf32, #tpu.memory_space<vmem_shared>>) offsets(%dma_start3A_90 : memref<128xi32, #tpu.memory_space<vmem>>) semaphore(%arg16 : memref<!tpu.dma_semaphore, #tpu.memory_space<semaphore_mem>>) {add = true}
      %gt3A = arith.constant 0 : i32
      %gt3A_94 = arith.cmpi sgt, %scan3A_76, %gt3A : i32
      %convert_element_type3A = arith.extui %gt3A_94 : i1 to i32
      %cond3A = arith.constant 0 : i32
      %cond3A_95 = arith.cmpi ne, %convert_element_type3A, %cond3A : i32
      scf.if %cond3A_95 {
        %dma_wait3A_168 = arith.constant 0 : i32
        %dma_wait3A_169 = arith.constant 0 : i32
        %dma_wait3A_170 = tpu.memref_slice %arg8[%dma_wait3A_168, %dma_wait3A_169] : memref<32x128xi32, #tpu.memory_space<vmem>> -> memref<1x128xi32, #tpu.memory_space<vmem>>
        %dma_wait3A_171 = tpu.memref_squeeze %dma_wait3A_170 : memref<1x128xi32, #tpu.memory_space<vmem>> -> memref<128xi32, #tpu.memory_space<vmem>>
        %dma_wait3A_172 = arith.constant 0 : i32
        %dma_wait3A_173 = arith.constant 0 : i32
        %dma_wait3A_174 = tpu.memref_slice %arg12[%dma_wait3A_172, %dma_wait3A_173] : memref<8192x128xf32, #tpu.memory_space<vmem_shared>> -> memref<8192x128xf32, #tpu.memory_space<vmem_shared>>
        tpu.wait_indirect_dma semaphore(%arg18 : memref<!tpu.dma_semaphore, #tpu.memory_space<semaphore_mem>>) src(%arg11 : memref<128x128xf32, #tpu.memory_space<vmem>>) dst(%dma_wait3A_174 : memref<8192x128xf32, #tpu.memory_space<vmem_shared>>)
      } else {
      }
      %add3A_96 = arith.constant 2 : i32
      %add3A_97 = arith.addi %add3A_80, %add3A_96 : i32
      %dma_start3A_98 = arith.constant 0 : i32
      %dma_start3A_99 = tpu.memref_slice %arg7[%add3A_97, %dma_start3A_98] : memref<32x128xi32, #tpu.memory_space<vmem>> -> memref<1x128xi32, #tpu.memory_space<vmem>>
      %dma_start3A_100 = tpu.memref_squeeze %dma_start3A_99 : memref<1x128xi32, #tpu.memory_space<vmem>> -> memref<128xi32, #tpu.memory_space<vmem>>
      %dma_start3A_101 = arith.constant 0 : i32
      %dma_start3A_102 = arith.constant 0 : i32
      %dma_start3A_103 = tpu.memref_slice %arg2[%dma_start3A_101, %dma_start3A_102] : memref<8192x128xf32, #tpu.memory_space<hbm>> -> memref<8192x128xf32, #tpu.memory_space<hbm>>
      tpu.enqueue_indirect_dma source(%dma_start3A_103 : memref<8192x128xf32, #tpu.memory_space<hbm>>) target(%arg11 : memref<128x128xf32, #tpu.memory_space<vmem>>) offsets(%dma_start3A_100 : memref<128xi32, #tpu.memory_space<vmem>>) semaphore(%arg15 : memref<!tpu.dma_semaphore, #tpu.memory_space<semaphore_mem>>)
      %mul3A_104 = arith.constant 3 : i32
      %mul3A_105 = arith.muli %mul3A_104, %scan3A_76 : i32
      %add3A_106 = arith.constant 1 : i32
      %add3A_107 = arith.addi %mul3A_105, %add3A_106 : i32
      %dma_wait3A_108 = arith.constant 0 : i32
      %dma_wait3A_109 = arith.constant 0 : i32
      %dma_wait3A_110 = tpu.memref_slice %arg7[%dma_wait3A_108, %dma_wait3A_109] : memref<32x128xi32, #tpu.memory_space<vmem>> -> memref<1x128xi32, #tpu.memory_space<vmem>>
      %dma_wait3A_111 = tpu.memref_squeeze %dma_wait3A_110 : memref<1x128xi32, #tpu.memory_space<vmem>> -> memref<128xi32, #tpu.memory_space<vmem>>
      %dma_wait3A_112 = arith.constant 0 : i32
      %dma_wait3A_113 = arith.constant 0 : i32
      %dma_wait3A_114 = tpu.memref_slice %arg2[%dma_wait3A_112, %dma_wait3A_113] : memref<8192x128xf32, #tpu.memory_space<hbm>> -> memref<8192x128xf32, #tpu.memory_space<hbm>>
      tpu.wait_indirect_dma semaphore(%arg14 : memref<!tpu.dma_semaphore, #tpu.memory_space<semaphore_mem>>) src(%dma_wait3A_114 : memref<8192x128xf32, #tpu.memory_space<hbm>>) dst(%arg10 : memref<128x128xf32, #tpu.memory_space<vmem>>)
      %dma_start3A_115 = arith.constant 0 : i32
      %dma_start3A_116 = tpu.memref_slice %arg8[%add3A_107, %dma_start3A_115] : memref<32x128xi32, #tpu.memory_space<vmem>> -> memref<1x128xi32, #tpu.memory_space<vmem>>
      %dma_start3A_117 = tpu.memref_squeeze %dma_start3A_116 : memref<1x128xi32, #tpu.memory_space<vmem>> -> memref<128xi32, #tpu.memory_space<vmem>>
      %dma_start3A_118 = arith.constant 0 : i32
      %dma_start3A_119 = arith.constant 0 : i32
      %dma_start3A_120 = tpu.memref_slice %arg12[%dma_start3A_118, %dma_start3A_119] : memref<8192x128xf32, #tpu.memory_space<vmem_shared>> -> memref<8192x128xf32, #tpu.memory_space<vmem_shared>>
      tpu.enqueue_indirect_dma source(%arg10 : memref<128x128xf32, #tpu.memory_space<vmem>>) target(%dma_start3A_120 : memref<8192x128xf32, #tpu.memory_space<vmem_shared>>) offsets(%dma_start3A_117 : memref<128xi32, #tpu.memory_space<vmem>>) semaphore(%arg17 : memref<!tpu.dma_semaphore, #tpu.memory_space<semaphore_mem>>) {add = true}
      %dma_wait3A_121 = arith.constant 0 : i32
      %dma_wait3A_122 = arith.constant 0 : i32
      %dma_wait3A_123 = tpu.memref_slice %arg8[%dma_wait3A_121, %dma_wait3A_122] : memref<32x128xi32, #tpu.memory_space<vmem>> -> memref<1x128xi32, #tpu.memory_space<vmem>>
      %dma_wait3A_124 = tpu.memref_squeeze %dma_wait3A_123 : memref<1x128xi32, #tpu.memory_space<vmem>> -> memref<128xi32, #tpu.memory_space<vmem>>
      %dma_wait3A_125 = arith.constant 0 : i32
      %dma_wait3A_126 = arith.constant 0 : i32
      %dma_wait3A_127 = tpu.memref_slice %arg12[%dma_wait3A_125, %dma_wait3A_126] : memref<8192x128xf32, #tpu.memory_space<vmem_shared>> -> memref<8192x128xf32, #tpu.memory_space<vmem_shared>>
      tpu.wait_indirect_dma semaphore(%arg16 : memref<!tpu.dma_semaphore, #tpu.memory_space<semaphore_mem>>) src(%arg9 : memref<128x128xf32, #tpu.memory_space<vmem>>) dst(%dma_wait3A_127 : memref<8192x128xf32, #tpu.memory_space<vmem_shared>>)
      %add3A_128 = arith.constant 2 : i32
      %add3A_129 = arith.addi %add3A_107, %add3A_128 : i32
      %dma_start3A_130 = arith.constant 0 : i32
      %dma_start3A_131 = tpu.memref_slice %arg7[%add3A_129, %dma_start3A_130] : memref<32x128xi32, #tpu.memory_space<vmem>> -> memref<1x128xi32, #tpu.memory_space<vmem>>
      %dma_start3A_132 = tpu.memref_squeeze %dma_start3A_131 : memref<1x128xi32, #tpu.memory_space<vmem>> -> memref<128xi32, #tpu.memory_space<vmem>>
      %dma_start3A_133 = arith.constant 0 : i32
      %dma_start3A_134 = arith.constant 0 : i32
      %dma_start3A_135 = tpu.memref_slice %arg2[%dma_start3A_133, %dma_start3A_134] : memref<8192x128xf32, #tpu.memory_space<hbm>> -> memref<8192x128xf32, #tpu.memory_space<hbm>>
      tpu.enqueue_indirect_dma source(%dma_start3A_135 : memref<8192x128xf32, #tpu.memory_space<hbm>>) target(%arg9 : memref<128x128xf32, #tpu.memory_space<vmem>>) offsets(%dma_start3A_132 : memref<128xi32, #tpu.memory_space<vmem>>) semaphore(%arg13 : memref<!tpu.dma_semaphore, #tpu.memory_space<semaphore_mem>>)
      %mul3A_136 = arith.constant 3 : i32
      %mul3A_137 = arith.muli %mul3A_136, %scan3A_76 : i32
      %add3A_138 = arith.constant 2 : i32
      %add3A_139 = arith.addi %mul3A_137, %add3A_138 : i32
      %dma_wait3A_140 = arith.constant 0 : i32
      %dma_wait3A_141 = arith.constant 0 : i32
      %dma_wait3A_142 = tpu.memref_slice %arg7[%dma_wait3A_140, %dma_wait3A_141] : memref<32x128xi32, #tpu.memory_space<vmem>> -> memref<1x128xi32, #tpu.memory_space<vmem>>
      %dma_wait3A_143 = tpu.memref_squeeze %dma_wait3A_142 : memref<1x128xi32, #tpu.memory_space<vmem>> -> memref<128xi32, #tpu.memory_space<vmem>>
      %dma_wait3A_144 = arith.constant 0 : i32
      %dma_wait3A_145 = arith.constant 0 : i32
      %dma_wait3A_146 = tpu.memref_slice %arg2[%dma_wait3A_144, %dma_wait3A_145] : memref<8192x128xf32, #tpu.memory_space<hbm>> -> memref<8192x128xf32, #tpu.memory_space<hbm>>
      tpu.wait_indirect_dma semaphore(%arg15 : memref<!tpu.dma_semaphore, #tpu.memory_space<semaphore_mem>>) src(%dma_wait3A_146 : memref<8192x128xf32, #tpu.memory_space<hbm>>) dst(%arg11 : memref<128x128xf32, #tpu.memory_space<vmem>>)
      %dma_start3A_147 = arith.constant 0 : i32
      %dma_start3A_148 = tpu.memref_slice %arg8[%add3A_139, %dma_start3A_147] : memref<32x128xi32, #tpu.memory_space<vmem>> -> memref<1x128xi32, #tpu.memory_space<vmem>>
      %dma_start3A_149 = tpu.memref_squeeze %dma_start3A_148 : memref<1x128xi32, #tpu.memory_space<vmem>> -> memref<128xi32, #tpu.memory_space<vmem>>
      %dma_start3A_150 = arith.constant 0 : i32
      %dma_start3A_151 = arith.constant 0 : i32
      %dma_start3A_152 = tpu.memref_slice %arg12[%dma_start3A_150, %dma_start3A_151] : memref<8192x128xf32, #tpu.memory_space<vmem_shared>> -> memref<8192x128xf32, #tpu.memory_space<vmem_shared>>
      tpu.enqueue_indirect_dma source(%arg11 : memref<128x128xf32, #tpu.memory_space<vmem>>) target(%dma_start3A_152 : memref<8192x128xf32, #tpu.memory_space<vmem_shared>>) offsets(%dma_start3A_149 : memref<128xi32, #tpu.memory_space<vmem>>) semaphore(%arg18 : memref<!tpu.dma_semaphore, #tpu.memory_space<semaphore_mem>>) {add = true}
      %dma_wait3A_153 = arith.constant 0 : i32
      %dma_wait3A_154 = arith.constant 0 : i32
      %dma_wait3A_155 = tpu.memref_slice %arg8[%dma_wait3A_153, %dma_wait3A_154] : memref<32x128xi32, #tpu.memory_space<vmem>> -> memref<1x128xi32, #tpu.memory_space<vmem>>
      %dma_wait3A_156 = tpu.memref_squeeze %dma_wait3A_155 : memref<1x128xi32, #tpu.memory_space<vmem>> -> memref<128xi32, #tpu.memory_space<vmem>>
      %dma_wait3A_157 = arith.constant 0 : i32
      %dma_wait3A_158 = arith.constant 0 : i32
      %dma_wait3A_159 = tpu.memref_slice %arg12[%dma_wait3A_157, %dma_wait3A_158] : memref<8192x128xf32, #tpu.memory_space<vmem_shared>> -> memref<8192x128xf32, #tpu.memory_space<vmem_shared>>
      tpu.wait_indirect_dma semaphore(%arg17 : memref<!tpu.dma_semaphore, #tpu.memory_space<semaphore_mem>>) src(%arg10 : memref<128x128xf32, #tpu.memory_space<vmem>>) dst(%dma_wait3A_159 : memref<8192x128xf32, #tpu.memory_space<vmem_shared>>)
      %add3A_160 = arith.constant 2 : i32
      %add3A_161 = arith.addi %add3A_139, %add3A_160 : i32
      %dma_start3A_162 = arith.constant 0 : i32
      %dma_start3A_163 = tpu.memref_slice %arg7[%add3A_161, %dma_start3A_162] : memref<32x128xi32, #tpu.memory_space<vmem>> -> memref<1x128xi32, #tpu.memory_space<vmem>>
      %dma_start3A_164 = tpu.memref_squeeze %dma_start3A_163 : memref<1x128xi32, #tpu.memory_space<vmem>> -> memref<128xi32, #tpu.memory_space<vmem>>
      %dma_start3A_165 = arith.constant 0 : i32
      %dma_start3A_166 = arith.constant 0 : i32
      %dma_start3A_167 = tpu.memref_slice %arg2[%dma_start3A_165, %dma_start3A_166] : memref<8192x128xf32, #tpu.memory_space<hbm>> -> memref<8192x128xf32, #tpu.memory_space<hbm>>
      tpu.enqueue_indirect_dma source(%dma_start3A_167 : memref<8192x128xf32, #tpu.memory_space<hbm>>) target(%arg10 : memref<128x128xf32, #tpu.memory_space<vmem>>) offsets(%dma_start3A_164 : memref<128xi32, #tpu.memory_space<vmem>>) semaphore(%arg14 : memref<!tpu.dma_semaphore, #tpu.memory_space<semaphore_mem>>)
    }
    %scan3A_22 = arith.constant 10 : i32
    %dma_wait3A = arith.constant 0 : i32
    %dma_wait3A_23 = arith.constant 0 : i32
    %dma_wait3A_24 = tpu.memref_slice %arg7[%dma_wait3A, %dma_wait3A_23] : memref<32x128xi32, #tpu.memory_space<vmem>> -> memref<1x128xi32, #tpu.memory_space<vmem>>
    %dma_wait3A_25 = tpu.memref_squeeze %dma_wait3A_24 : memref<1x128xi32, #tpu.memory_space<vmem>> -> memref<128xi32, #tpu.memory_space<vmem>>
    %dma_wait3A_26 = arith.constant 0 : i32
    %dma_wait3A_27 = arith.constant 0 : i32
    %dma_wait3A_28 = tpu.memref_slice %arg2[%dma_wait3A_26, %dma_wait3A_27] : memref<8192x128xf32, #tpu.memory_space<hbm>> -> memref<8192x128xf32, #tpu.memory_space<hbm>>
    tpu.wait_indirect_dma semaphore(%arg13 : memref<!tpu.dma_semaphore, #tpu.memory_space<semaphore_mem>>) src(%dma_wait3A_28 : memref<8192x128xf32, #tpu.memory_space<hbm>>) dst(%arg9 : memref<128x128xf32, #tpu.memory_space<vmem>>)
    %dma_start3A_29 = arith.constant 30 : i32
    %dma_start3A_30 = arith.constant 0 : i32
    %dma_start3A_31 = tpu.memref_slice %arg8[%dma_start3A_29, %dma_start3A_30] : memref<32x128xi32, #tpu.memory_space<vmem>> -> memref<1x128xi32, #tpu.memory_space<vmem>>
    %dma_start3A_32 = tpu.memref_squeeze %dma_start3A_31 : memref<1x128xi32, #tpu.memory_space<vmem>> -> memref<128xi32, #tpu.memory_space<vmem>>
    %dma_start3A_33 = arith.constant 0 : i32
    %dma_start3A_34 = arith.constant 0 : i32
    %dma_start3A_35 = tpu.memref_slice %arg12[%dma_start3A_33, %dma_start3A_34] : memref<8192x128xf32, #tpu.memory_space<vmem_shared>> -> memref<8192x128xf32, #tpu.memory_space<vmem_shared>>
    tpu.enqueue_indirect_dma source(%arg9 : memref<128x128xf32, #tpu.memory_space<vmem>>) target(%dma_start3A_35 : memref<8192x128xf32, #tpu.memory_space<vmem_shared>>) offsets(%dma_start3A_32 : memref<128xi32, #tpu.memory_space<vmem>>) semaphore(%arg16 : memref<!tpu.dma_semaphore, #tpu.memory_space<semaphore_mem>>) {add = true}
    %dma_wait3A_36 = arith.constant 0 : i32
    %dma_wait3A_37 = arith.constant 0 : i32
    %dma_wait3A_38 = tpu.memref_slice %arg7[%dma_wait3A_36, %dma_wait3A_37] : memref<32x128xi32, #tpu.memory_space<vmem>> -> memref<1x128xi32, #tpu.memory_space<vmem>>
    %dma_wait3A_39 = tpu.memref_squeeze %dma_wait3A_38 : memref<1x128xi32, #tpu.memory_space<vmem>> -> memref<128xi32, #tpu.memory_space<vmem>>
    %dma_wait3A_40 = arith.constant 0 : i32
    %dma_wait3A_41 = arith.constant 0 : i32
    %dma_wait3A_42 = tpu.memref_slice %arg2[%dma_wait3A_40, %dma_wait3A_41] : memref<8192x128xf32, #tpu.memory_space<hbm>> -> memref<8192x128xf32, #tpu.memory_space<hbm>>
    tpu.wait_indirect_dma semaphore(%arg14 : memref<!tpu.dma_semaphore, #tpu.memory_space<semaphore_mem>>) src(%dma_wait3A_42 : memref<8192x128xf32, #tpu.memory_space<hbm>>) dst(%arg10 : memref<128x128xf32, #tpu.memory_space<vmem>>)
    %dma_start3A_43 = arith.constant 31 : i32
    %dma_start3A_44 = arith.constant 0 : i32
    %dma_start3A_45 = tpu.memref_slice %arg8[%dma_start3A_43, %dma_start3A_44] : memref<32x128xi32, #tpu.memory_space<vmem>> -> memref<1x128xi32, #tpu.memory_space<vmem>>
    %dma_start3A_46 = tpu.memref_squeeze %dma_start3A_45 : memref<1x128xi32, #tpu.memory_space<vmem>> -> memref<128xi32, #tpu.memory_space<vmem>>
    %dma_start3A_47 = arith.constant 0 : i32
    %dma_start3A_48 = arith.constant 0 : i32
    %dma_start3A_49 = tpu.memref_slice %arg12[%dma_start3A_47, %dma_start3A_48] : memref<8192x128xf32, #tpu.memory_space<vmem_shared>> -> memref<8192x128xf32, #tpu.memory_space<vmem_shared>>
    tpu.enqueue_indirect_dma source(%arg10 : memref<128x128xf32, #tpu.memory_space<vmem>>) target(%dma_start3A_49 : memref<8192x128xf32, #tpu.memory_space<vmem_shared>>) offsets(%dma_start3A_46 : memref<128xi32, #tpu.memory_space<vmem>>) semaphore(%arg17 : memref<!tpu.dma_semaphore, #tpu.memory_space<semaphore_mem>>) {add = true}
    %dma_wait3A_50 = arith.constant 0 : i32
    %dma_wait3A_51 = arith.constant 0 : i32
    %dma_wait3A_52 = tpu.memref_slice %arg8[%dma_wait3A_50, %dma_wait3A_51] : memref<32x128xi32, #tpu.memory_space<vmem>> -> memref<1x128xi32, #tpu.memory_space<vmem>>
    %dma_wait3A_53 = tpu.memref_squeeze %dma_wait3A_52 : memref<1x128xi32, #tpu.memory_space<vmem>> -> memref<128xi32, #tpu.memory_space<vmem>>
    %dma_wait3A_54 = arith.constant 0 : i32
    %dma_wait3A_55 = arith.constant 0 : i32
    %dma_wait3A_56 = tpu.memref_slice %arg12[%dma_wait3A_54, %dma_wait3A_55] : memref<8192x128xf32, #tpu.memory_space<vmem_shared>> -> memref<8192x128xf32, #tpu.memory_space<vmem_shared>>
    tpu.wait_indirect_dma semaphore(%arg16 : memref<!tpu.dma_semaphore, #tpu.memory_space<semaphore_mem>>) src(%arg9 : memref<128x128xf32, #tpu.memory_space<vmem>>) dst(%dma_wait3A_56 : memref<8192x128xf32, #tpu.memory_space<vmem_shared>>)
    %dma_wait3A_57 = arith.constant 0 : i32
    %dma_wait3A_58 = arith.constant 0 : i32
    %dma_wait3A_59 = tpu.memref_slice %arg8[%dma_wait3A_57, %dma_wait3A_58] : memref<32x128xi32, #tpu.memory_space<vmem>> -> memref<1x128xi32, #tpu.memory_space<vmem>>
    %dma_wait3A_60 = tpu.memref_squeeze %dma_wait3A_59 : memref<1x128xi32, #tpu.memory_space<vmem>> -> memref<128xi32, #tpu.memory_space<vmem>>
    %dma_wait3A_61 = arith.constant 0 : i32
    %dma_wait3A_62 = arith.constant 0 : i32
    %dma_wait3A_63 = tpu.memref_slice %arg12[%dma_wait3A_61, %dma_wait3A_62] : memref<8192x128xf32, #tpu.memory_space<vmem_shared>> -> memref<8192x128xf32, #tpu.memory_space<vmem_shared>>
    tpu.wait_indirect_dma semaphore(%arg17 : memref<!tpu.dma_semaphore, #tpu.memory_space<semaphore_mem>>) src(%arg10 : memref<128x128xf32, #tpu.memory_space<vmem>>) dst(%dma_wait3A_63 : memref<8192x128xf32, #tpu.memory_space<vmem_shared>>)
    %dma_wait3A_64 = arith.constant 0 : i32
    %dma_wait3A_65 = arith.constant 0 : i32
    %dma_wait3A_66 = tpu.memref_slice %arg8[%dma_wait3A_64, %dma_wait3A_65] : memref<32x128xi32, #tpu.memory_space<vmem>> -> memref<1x128xi32, #tpu.memory_space<vmem>>
    %dma_wait3A_67 = tpu.memref_squeeze %dma_wait3A_66 : memref<1x128xi32, #tpu.memory_space<vmem>> -> memref<128xi32, #tpu.memory_space<vmem>>
    %dma_wait3A_68 = arith.constant 0 : i32
    %dma_wait3A_69 = arith.constant 0 : i32
    %dma_wait3A_70 = tpu.memref_slice %arg12[%dma_wait3A_68, %dma_wait3A_69] : memref<8192x128xf32, #tpu.memory_space<vmem_shared>> -> memref<8192x128xf32, #tpu.memory_space<vmem_shared>>
    tpu.wait_indirect_dma semaphore(%arg18 : memref<!tpu.dma_semaphore, #tpu.memory_space<semaphore_mem>>) src(%arg11 : memref<128x128xf32, #tpu.memory_space<vmem>>) dst(%dma_wait3A_70 : memref<8192x128xf32, #tpu.memory_space<vmem_shared>>)
    %barrier3A_71 = arith.constant 0 : index
    tpu.barrier barrier_id(%barrier3A_71)
    %mul3A_72 = arith.constant 8192 : i32
    %mul3A_73 = arith.muli %arg0, %mul3A_72 : i32
    %add3A_74 = arith.addi %mul3A_73, %mul3A_2 : i32
    %multiple_of3A_75 = tpu.assume_multiple %add3A_74, 512 : i32
    "tpu.region"() ({
      %run_scoped3A = tpu.sem_alloc : memref<!tpu.dma_semaphore, #tpu.memory_space<semaphore_mem>>
      %dma_start3A_76 = arith.constant 0 : i32
      %dma_start3A_77 = tpu.memref_slice %arg6[%multiple_of3A_75, %dma_start3A_76] : memref<16384x128xf32, #tpu.memory_space<hbm>> -> memref<512x128xf32, #tpu.memory_space<hbm>>
      %dma_start3A_78 = arith.constant 0 : i32
      %dma_start3A_79 = tpu.memref_slice %arg12[%mul3A_2, %dma_start3A_78] : memref<8192x128xf32, #tpu.memory_space<vmem_shared>> -> memref<512x128xf32, #tpu.memory_space<vmem_shared>>
      tpu.enqueue_dma source(%dma_start3A_79 : memref<512x128xf32, #tpu.memory_space<vmem_shared>>) target(%dma_start3A_77 : memref<512x128xf32, #tpu.memory_space<hbm>>) target_semaphore(%run_scoped3A : memref<!tpu.dma_semaphore, #tpu.memory_space<semaphore_mem>>)
      %dma_wait3A_80 = arith.constant 0 : i32
      %dma_wait3A_81 = tpu.memref_slice %arg6[%multiple_of3A_75, %dma_wait3A_80] : memref<16384x128xf32, #tpu.memory_space<hbm>> -> memref<512x128xf32, #tpu.memory_space<hbm>>
      %dma_wait3A_82 = arith.constant 0 : i32
      %dma_wait3A_83 = tpu.memref_slice %arg12[%mul3A_2, %dma_wait3A_82] : memref<8192x128xf32, #tpu.memory_space<vmem_shared>> -> memref<512x128xf32, #tpu.memory_space<vmem_shared>>
      tpu.wait_dma2 semaphore(%run_scoped3A : memref<!tpu.dma_semaphore, #tpu.memory_space<semaphore_mem>>) src(%dma_wait3A_83 : memref<512x128xf32, #tpu.memory_space<vmem_shared>>) dst(%dma_wait3A_81 : memref<512x128xf32, #tpu.memory_space<hbm>>)
      tpu.yield
    }) : () -> ()
    return
  }
}

module attributes {stable_mosaic.version = 14 : i64} {
  func.func @body(%arg0: i32, %arg1: memref<2x512x128xf32, #tpu.memory_space<vmem>>, %arg2: memref<2x512x128xf32, #tpu.memory_space<vmem>>, %arg3: memref<512x128xf32, #tpu.memory_space<vmem>>, %arg4: memref<1x128x128xf32, #tpu.memory_space<vmem>>, %arg5: memref<1x1x128xf32, #tpu.memory_space<vmem>>, %arg6: memref<1x128x128xf32, #tpu.memory_space<vmem>>, %arg7: memref<512x128xf32, #tpu.memory_space<vmem>>) attributes {dimension_semantics = [#tpu.dimension_semantics<arbitrary>], iteration_bounds = array<i64: 16>, scalar_prefetch = 0 : i64, scratch_operands = 0 : i64, tpu.core_type = #tpu.core_type<tc>, window_params = [{transform_indices = @transform_0, window_bounds = array<i64: 2, 512, 128>}, {transform_indices = @transform_1, window_bounds = array<i64: 2, 512, 128>}, {transform_indices = @transform_2, window_bounds = array<i64: 512, 128>}, {transform_indices = @transform_3, window_bounds = array<i64: 1, 128, 128>}, {transform_indices = @transform_4, window_bounds = array<i64: 1, 1, 128>}, {transform_indices = @transform_5, window_bounds = array<i64: 1, 128, 128>}, {transform_indices = @transform_6, window_bounds = array<i64: 512, 128>}]} {
    %get3A = arith.constant 0 : index
    %get3A_0 = arith.constant 0 : index
    %get3A_1 = arith.constant 0 : index
    %get3A_2 = vector.load %arg1[%get3A, %get3A_0, %get3A_1] : memref<2x512x128xf32, #tpu.memory_space<vmem>>, vector<1x512x128xf32>
    %get3A_3 = vector.shape_cast %get3A_2 : vector<1x512x128xf32> to vector<512x128xf32>
    %get3A_4 = arith.constant 1 : index
    %get3A_5 = arith.constant 0 : index
    %get3A_6 = arith.constant 0 : index
    %get3A_7 = vector.load %arg1[%get3A_4, %get3A_5, %get3A_6] : memref<2x512x128xf32, #tpu.memory_space<vmem>>, vector<1x512x128xf32>
    %get3A_8 = vector.shape_cast %get3A_7 : vector<1x512x128xf32> to vector<512x128xf32>
    %add3A = arith.addf %get3A_3, %get3A_8 : vector<512x128xf32>
    %get3A_9 = arith.constant 0 : index
    %get3A_10 = arith.constant 0 : index
    %get3A_11 = arith.constant 0 : index
    %get3A_12 = vector.load %arg2[%get3A_9, %get3A_10, %get3A_11] : memref<2x512x128xf32, #tpu.memory_space<vmem>>, vector<1x512x128xf32>
    %get3A_13 = vector.shape_cast %get3A_12 : vector<1x512x128xf32> to vector<512x128xf32>
    %get3A_14 = arith.constant 1 : index
    %get3A_15 = arith.constant 0 : index
    %get3A_16 = arith.constant 0 : index
    %get3A_17 = vector.load %arg2[%get3A_14, %get3A_15, %get3A_16] : memref<2x512x128xf32, #tpu.memory_space<vmem>>, vector<1x512x128xf32>
    %get3A_18 = vector.shape_cast %get3A_17 : vector<1x512x128xf32> to vector<512x128xf32>
    %add3A_19 = arith.addf %get3A_13, %get3A_18 : vector<512x128xf32>
    %max3A = arith.constant 1.000000e+00 : f32
    %max3A_20 = vector.broadcast %max3A : f32 to vector<512x128xf32>
    %max3A_21 = arith.maximumf %add3A_19, %max3A_20 : vector<512x128xf32>
    %div3A = arith.divf %add3A, %max3A_21 : vector<512x128xf32>
    %get3A_22 = arith.constant 0 : index
    %get3A_23 = arith.constant 0 : index
    %get3A_24 = arith.constant 0 : index
    %get3A_25 = vector.load %arg4[%get3A_22, %get3A_23, %get3A_24] : memref<1x128x128xf32, #tpu.memory_space<vmem>>, vector<1x128x128xf32>
    %get3A_26 = vector.shape_cast %get3A_25 : vector<1x128x128xf32> to vector<128x128xf32>
    %dot_general3A = arith.constant dense<0.000000e+00> : vector<512x128xf32>
    %dot_general3A_27 = tpu.matmul %div3A, %get3A_26, %dot_general3A {dimension_numbers = #tpu.dot_dimension_numbers<[1], [1], [0], [0], [0, 0, 1, 0], [], []>, transpose_lhs_hint = false} : vector<512x128xf32>, vector<128x128xf32>, vector<512x128xf32> -> vector<512x128xf32>
    %get3A_28 = arith.constant 0 : index
    %get3A_29 = arith.constant 0 : index
    %get3A_30 = arith.constant 0 : index
    %get3A_31 = vector.load %arg5[%get3A_28, %get3A_29, %get3A_30] : memref<1x1x128xf32, #tpu.memory_space<vmem>>, vector<1x1x128xf32>
    %get3A_32 = vector.shape_cast %get3A_31 : vector<1x1x128xf32> to vector<1x128xf32>
    %add3A_33 = vector.broadcast %get3A_32 : vector<1x128xf32> to vector<512x128xf32>
    %add3A_34 = arith.addf %dot_general3A_27, %add3A_33 : vector<512x128xf32>
    %get3A_35 = arith.constant 0 : index
    %get3A_36 = arith.constant 0 : index
    %get3A_37 = vector.load %arg3[%get3A_35, %get3A_36] : memref<512x128xf32, #tpu.memory_space<vmem>>, vector<512x128xf32>
    %get3A_38 = arith.constant 0 : index
    %get3A_39 = arith.constant 0 : index
    %get3A_40 = arith.constant 0 : index
    %get3A_41 = vector.load %arg6[%get3A_38, %get3A_39, %get3A_40] : memref<1x128x128xf32, #tpu.memory_space<vmem>>, vector<1x128x128xf32>
    %get3A_42 = vector.shape_cast %get3A_41 : vector<1x128x128xf32> to vector<128x128xf32>
    %dot_general3A_43 = arith.constant dense<0.000000e+00> : vector<512x128xf32>
    %dot_general3A_44 = tpu.matmul %get3A_37, %get3A_42, %dot_general3A_43 {dimension_numbers = #tpu.dot_dimension_numbers<[1], [1], [0], [0], [0, 0, 1, 0], [], []>, transpose_lhs_hint = false} : vector<512x128xf32>, vector<128x128xf32>, vector<512x128xf32> -> vector<512x128xf32>
    %add3A_45 = arith.addf %add3A_34, %dot_general3A_44 : vector<512x128xf32>
    %max3A_46 = arith.constant 0.000000e+00 : f32
    %max3A_47 = vector.broadcast %max3A_46 : f32 to vector<512x128xf32>
    %max3A_48 = arith.maximumf %add3A_45, %max3A_47 : vector<512x128xf32>
    %swap3A = arith.constant 0 : index
    %swap3A_49 = arith.constant 0 : index
    %swap3A_50 = vector.load %arg7[%swap3A, %swap3A_49] : memref<512x128xf32, #tpu.memory_space<vmem>>, vector<512x128xf32>
    tpu.vector_store %arg7[%swap3A, %swap3A_49], %max3A_48 {strides = array<i32>} : memref<512x128xf32, #tpu.memory_space<vmem>>, vector<512x128xf32>,
    return
  }
  func.func @transform_0(%arg0: i32) -> (i32, i32, i32) {
    %c0_i32 = arith.constant 0 : i32
    %c0_i32_0 = arith.constant 0 : i32
    %c0_i32_1 = arith.constant 0 : i32
    return %c0_i32, %arg0, %c0_i32_0 : i32, i32, i32
  }
  func.func @transform_1(%arg0: i32) -> (i32, i32, i32) {
    %c0_i32 = arith.constant 0 : i32
    %c0_i32_0 = arith.constant 0 : i32
    %c0_i32_1 = arith.constant 0 : i32
    return %c0_i32, %arg0, %c0_i32_0 : i32, i32, i32
  }
  func.func @transform_2(%arg0: i32) -> (i32, i32) {
    %c0_i32 = arith.constant 0 : i32
    %c0_i32_0 = arith.constant 0 : i32
    return %arg0, %c0_i32 : i32, i32
  }
  func.func @transform_3(%arg0: i32) -> (i32, i32, i32) {
    %jit3A = arith.constant 8 : i32
    %div3A = arith.divsi %arg0, %jit3A : i32
    %sign3A = arith.constant 0 : i32
    %sign3A_0 = arith.cmpi sgt, %arg0, %sign3A : i32
    %sign3A_1 = arith.extui %sign3A_0 : i1 to i32
    %sign3A_2 = arith.constant 0 : i32
    %sign3A_3 = arith.cmpi slt, %arg0, %sign3A_2 : i32
    %sign3A_4 = arith.extui %sign3A_3 : i1 to i32
    %sign3A_5 = arith.subi %sign3A_1, %sign3A_4 : i32
    %sign3A_6 = arith.constant 0 : i32
    %sign3A_7 = arith.cmpi sgt, %jit3A, %sign3A_6 : i32
    %sign3A_8 = arith.extui %sign3A_7 : i1 to i32
    %sign3A_9 = arith.constant 0 : i32
    %sign3A_10 = arith.cmpi slt, %jit3A, %sign3A_9 : i32
    %sign3A_11 = arith.extui %sign3A_10 : i1 to i32
    %sign3A_12 = arith.subi %sign3A_8, %sign3A_11 : i32
    %ne3A = arith.cmpi ne, %sign3A_5, %sign3A_12 : i32
    %rem3A = arith.remsi %arg0, %jit3A : i32
    %ne3A_13 = arith.constant 0 : i32
    %ne3A_14 = arith.cmpi ne, %rem3A, %ne3A_13 : i32
    %and3A = arith.andi %ne3A, %ne3A_14 : i1
    %sub3A = arith.constant 1 : i32
    %sub3A_15 = arith.subi %div3A, %sub3A : i32
    %select_n3A = arith.select %and3A, %sub3A_15, %div3A : i32
    %c0_i32 = arith.constant 0 : i32
    %c0_i32_16 = arith.constant 0 : i32
    %c0_i32_17 = arith.constant 0 : i32
    return %select_n3A, %c0_i32, %c0_i32_16 : i32, i32, i32
  }
  func.func @transform_4(%arg0: i32) -> (i32, i32, i32) {
    %jit3A = arith.constant 8 : i32
    %div3A = arith.divsi %arg0, %jit3A : i32
    %sign3A = arith.constant 0 : i32
    %sign3A_0 = arith.cmpi sgt, %arg0, %sign3A : i32
    %sign3A_1 = arith.extui %sign3A_0 : i1 to i32
    %sign3A_2 = arith.constant 0 : i32
    %sign3A_3 = arith.cmpi slt, %arg0, %sign3A_2 : i32
    %sign3A_4 = arith.extui %sign3A_3 : i1 to i32
    %sign3A_5 = arith.subi %sign3A_1, %sign3A_4 : i32
    %sign3A_6 = arith.constant 0 : i32
    %sign3A_7 = arith.cmpi sgt, %jit3A, %sign3A_6 : i32
    %sign3A_8 = arith.extui %sign3A_7 : i1 to i32
    %sign3A_9 = arith.constant 0 : i32
    %sign3A_10 = arith.cmpi slt, %jit3A, %sign3A_9 : i32
    %sign3A_11 = arith.extui %sign3A_10 : i1 to i32
    %sign3A_12 = arith.subi %sign3A_8, %sign3A_11 : i32
    %ne3A = arith.cmpi ne, %sign3A_5, %sign3A_12 : i32
    %rem3A = arith.remsi %arg0, %jit3A : i32
    %ne3A_13 = arith.constant 0 : i32
    %ne3A_14 = arith.cmpi ne, %rem3A, %ne3A_13 : i32
    %and3A = arith.andi %ne3A, %ne3A_14 : i1
    %sub3A = arith.constant 1 : i32
    %sub3A_15 = arith.subi %div3A, %sub3A : i32
    %select_n3A = arith.select %and3A, %sub3A_15, %div3A : i32
    %c0_i32 = arith.constant 0 : i32
    %c0_i32_16 = arith.constant 0 : i32
    %c0_i32_17 = arith.constant 0 : i32
    return %select_n3A, %c0_i32, %c0_i32_16 : i32, i32, i32
  }
  func.func @transform_5(%arg0: i32) -> (i32, i32, i32) {
    %jit3A = arith.constant 8 : i32
    %div3A = arith.divsi %arg0, %jit3A : i32
    %sign3A = arith.constant 0 : i32
    %sign3A_0 = arith.cmpi sgt, %arg0, %sign3A : i32
    %sign3A_1 = arith.extui %sign3A_0 : i1 to i32
    %sign3A_2 = arith.constant 0 : i32
    %sign3A_3 = arith.cmpi slt, %arg0, %sign3A_2 : i32
    %sign3A_4 = arith.extui %sign3A_3 : i1 to i32
    %sign3A_5 = arith.subi %sign3A_1, %sign3A_4 : i32
    %sign3A_6 = arith.constant 0 : i32
    %sign3A_7 = arith.cmpi sgt, %jit3A, %sign3A_6 : i32
    %sign3A_8 = arith.extui %sign3A_7 : i1 to i32
    %sign3A_9 = arith.constant 0 : i32
    %sign3A_10 = arith.cmpi slt, %jit3A, %sign3A_9 : i32
    %sign3A_11 = arith.extui %sign3A_10 : i1 to i32
    %sign3A_12 = arith.subi %sign3A_8, %sign3A_11 : i32
    %ne3A = arith.cmpi ne, %sign3A_5, %sign3A_12 : i32
    %rem3A = arith.remsi %arg0, %jit3A : i32
    %ne3A_13 = arith.constant 0 : i32
    %ne3A_14 = arith.cmpi ne, %rem3A, %ne3A_13 : i32
    %and3A = arith.andi %ne3A, %ne3A_14 : i1
    %sub3A = arith.constant 1 : i32
    %sub3A_15 = arith.subi %div3A, %sub3A : i32
    %select_n3A = arith.select %and3A, %sub3A_15, %div3A : i32
    %c0_i32 = arith.constant 0 : i32
    %c0_i32_16 = arith.constant 0 : i32
    %c0_i32_17 = arith.constant 0 : i32
    return %select_n3A, %c0_i32, %c0_i32_16 : i32, i32, i32
  }
  func.func @transform_6(%arg0: i32) -> (i32, i32) {
    %c0_i32 = arith.constant 0 : i32
    %c0_i32_0 = arith.constant 0 : i32
    return %arg0, %c0_i32 : i32, i32
  }
}

module attributes {stable_mosaic.version = 14 : i64} {
  func.func @body(%arg0: i32, %arg1: memref<2x512x128xf32, #tpu.memory_space<vmem>>, %arg2: memref<2x512x128xf32, #tpu.memory_space<vmem>>, %arg3: memref<512x128xf32, #tpu.memory_space<vmem>>, %arg4: memref<1x128x128xf32, #tpu.memory_space<vmem>>, %arg5: memref<1x1x128xf32, #tpu.memory_space<vmem>>, %arg6: memref<1x128x128xf32, #tpu.memory_space<vmem>>, %arg7: memref<1x128x128xf32, #tpu.memory_space<vmem>>, %arg8: memref<1x1x128xf32, #tpu.memory_space<vmem>>, %arg9: memref<1x128x128xf32, #tpu.memory_space<vmem>>, %arg10: memref<1x1x128xf32, #tpu.memory_space<vmem>>, %arg11: memref<1x128x128xf32, #tpu.memory_space<vmem>>, %arg12: memref<1x1x128xf32, #tpu.memory_space<vmem>>, %arg13: memref<512x128xf32, #tpu.memory_space<vmem>>, %arg14: memref<512x128xf32, #tpu.memory_space<vmem>>, %arg15: memref<512x128xbf16, #tpu.memory_space<vmem>>, %arg16: memref<512x256xbf16, #tpu.memory_space<vmem>>) attributes {dimension_semantics = [#tpu.dimension_semantics<arbitrary>], iteration_bounds = array<i64: 16>, scalar_prefetch = 0 : i64, scratch_operands = 0 : i64, tpu.core_type = #tpu.core_type<tc>, window_params = [{transform_indices = @transform_0, window_bounds = array<i64: 2, 512, 128>}, {transform_indices = @transform_1, window_bounds = array<i64: 2, 512, 128>}, {transform_indices = @transform_2, window_bounds = array<i64: 512, 128>}, {transform_indices = @transform_3, window_bounds = array<i64: 1, 128, 128>}, {transform_indices = @transform_4, window_bounds = array<i64: 1, 1, 128>}, {transform_indices = @transform_5, window_bounds = array<i64: 1, 128, 128>}, {transform_indices = @transform_6, window_bounds = array<i64: 1, 128, 128>}, {transform_indices = @transform_7, window_bounds = array<i64: 1, 1, 128>}, {transform_indices = @transform_8, window_bounds = array<i64: 1, 128, 128>}, {transform_indices = @transform_9, window_bounds = array<i64: 1, 1, 128>}, {transform_indices = @transform_10, window_bounds = array<i64: 1, 128, 128>}, {transform_indices = @transform_11, window_bounds = array<i64: 1, 1, 128>}, {transform_indices = @transform_12, window_bounds = array<i64: 512, 128>}, {transform_indices = @transform_13, window_bounds = array<i64: 512, 128>}, {transform_indices = @transform_14, window_bounds = array<i64: 512, 128>}, {transform_indices = @transform_15, window_bounds = array<i64: 512, 256>}]} {
    %get3A = arith.constant 0 : index
    %get3A_0 = arith.constant 0 : index
    %get3A_1 = arith.constant 0 : index
    %get3A_2 = vector.load %arg1[%get3A, %get3A_0, %get3A_1] : memref<2x512x128xf32, #tpu.memory_space<vmem>>, vector<1x512x128xf32>
    %get3A_3 = vector.shape_cast %get3A_2 : vector<1x512x128xf32> to vector<512x128xf32>
    %get3A_4 = arith.constant 1 : index
    %get3A_5 = arith.constant 0 : index
    %get3A_6 = arith.constant 0 : index
    %get3A_7 = vector.load %arg1[%get3A_4, %get3A_5, %get3A_6] : memref<2x512x128xf32, #tpu.memory_space<vmem>>, vector<1x512x128xf32>
    %get3A_8 = vector.shape_cast %get3A_7 : vector<1x512x128xf32> to vector<512x128xf32>
    %add3A = arith.addf %get3A_3, %get3A_8 : vector<512x128xf32>
    %get3A_9 = arith.constant 0 : index
    %get3A_10 = arith.constant 0 : index
    %get3A_11 = arith.constant 0 : index
    %get3A_12 = vector.load %arg2[%get3A_9, %get3A_10, %get3A_11] : memref<2x512x128xf32, #tpu.memory_space<vmem>>, vector<1x512x128xf32>
    %get3A_13 = vector.shape_cast %get3A_12 : vector<1x512x128xf32> to vector<512x128xf32>
    %get3A_14 = arith.constant 1 : index
    %get3A_15 = arith.constant 0 : index
    %get3A_16 = arith.constant 0 : index
    %get3A_17 = vector.load %arg2[%get3A_14, %get3A_15, %get3A_16] : memref<2x512x128xf32, #tpu.memory_space<vmem>>, vector<1x512x128xf32>
    %get3A_18 = vector.shape_cast %get3A_17 : vector<1x512x128xf32> to vector<512x128xf32>
    %add3A_19 = arith.addf %get3A_13, %get3A_18 : vector<512x128xf32>
    %max3A = arith.constant 1.000000e+00 : f32
    %max3A_20 = vector.broadcast %max3A : f32 to vector<512x128xf32>
    %max3A_21 = arith.maximumf %add3A_19, %max3A_20 : vector<512x128xf32>
    %div3A = arith.divf %add3A, %max3A_21 : vector<512x128xf32>
    %get3A_22 = arith.constant 0 : index
    %get3A_23 = arith.constant 0 : index
    %get3A_24 = arith.constant 0 : index
    %get3A_25 = vector.load %arg4[%get3A_22, %get3A_23, %get3A_24] : memref<1x128x128xf32, #tpu.memory_space<vmem>>, vector<1x128x128xf32>
    %get3A_26 = vector.shape_cast %get3A_25 : vector<1x128x128xf32> to vector<128x128xf32>
    %dot_general3A = arith.constant dense<0.000000e+00> : vector<512x128xf32>
    %dot_general3A_27 = tpu.matmul %div3A, %get3A_26, %dot_general3A {dimension_numbers = #tpu.dot_dimension_numbers<[1], [1], [0], [0], [0, 0, 1, 0], [], []>, transpose_lhs_hint = false} : vector<512x128xf32>, vector<128x128xf32>, vector<512x128xf32> -> vector<512x128xf32>
    %get3A_28 = arith.constant 0 : index
    %get3A_29 = arith.constant 0 : index
    %get3A_30 = arith.constant 0 : index
    %get3A_31 = vector.load %arg5[%get3A_28, %get3A_29, %get3A_30] : memref<1x1x128xf32, #tpu.memory_space<vmem>>, vector<1x1x128xf32>
    %get3A_32 = vector.shape_cast %get3A_31 : vector<1x1x128xf32> to vector<1x128xf32>
    %add3A_33 = vector.broadcast %get3A_32 : vector<1x128xf32> to vector<512x128xf32>
    %add3A_34 = arith.addf %dot_general3A_27, %add3A_33 : vector<512x128xf32>
    %get3A_35 = arith.constant 0 : index
    %get3A_36 = arith.constant 0 : index
    %get3A_37 = vector.load %arg3[%get3A_35, %get3A_36] : memref<512x128xf32, #tpu.memory_space<vmem>>, vector<512x128xf32>
    %get3A_38 = arith.constant 0 : index
    %get3A_39 = arith.constant 0 : index
    %get3A_40 = arith.constant 0 : index
    %get3A_41 = vector.load %arg6[%get3A_38, %get3A_39, %get3A_40] : memref<1x128x128xf32, #tpu.memory_space<vmem>>, vector<1x128x128xf32>
    %get3A_42 = vector.shape_cast %get3A_41 : vector<1x128x128xf32> to vector<128x128xf32>
    %dot_general3A_43 = arith.constant dense<0.000000e+00> : vector<512x128xf32>
    %dot_general3A_44 = tpu.matmul %get3A_37, %get3A_42, %dot_general3A_43 {dimension_numbers = #tpu.dot_dimension_numbers<[1], [1], [0], [0], [0, 0, 1, 0], [], []>, transpose_lhs_hint = false} : vector<512x128xf32>, vector<128x128xf32>, vector<512x128xf32> -> vector<512x128xf32>
    %add3A_45 = arith.addf %add3A_34, %dot_general3A_44 : vector<512x128xf32>
    %max3A_46 = arith.constant 0.000000e+00 : f32
    %max3A_47 = vector.broadcast %max3A_46 : f32 to vector<512x128xf32>
    %max3A_48 = arith.maximumf %add3A_45, %max3A_47 : vector<512x128xf32>
    %swap3A = arith.constant 0 : index
    %swap3A_49 = arith.constant 0 : index
    %swap3A_50 = vector.load %arg13[%swap3A, %swap3A_49] : memref<512x128xf32, #tpu.memory_space<vmem>>, vector<512x128xf32>
    tpu.vector_store %arg13[%swap3A, %swap3A_49], %max3A_48 {strides = array<i32>} : memref<512x128xf32, #tpu.memory_space<vmem>>, vector<512x128xf32>,
    %get3A_51 = arith.constant 0 : index
    %get3A_52 = arith.constant 0 : index
    %get3A_53 = arith.constant 0 : index
    %get3A_54 = vector.load %arg7[%get3A_51, %get3A_52, %get3A_53] : memref<1x128x128xf32, #tpu.memory_space<vmem>>, vector<1x128x128xf32>
    %get3A_55 = vector.shape_cast %get3A_54 : vector<1x128x128xf32> to vector<128x128xf32>
    %dot_general3A_56 = arith.constant dense<0.000000e+00> : vector<512x128xf32>
    %dot_general3A_57 = tpu.matmul %max3A_48, %get3A_55, %dot_general3A_56 {dimension_numbers = #tpu.dot_dimension_numbers<[1], [1], [0], [0], [0, 0, 1, 0], [], []>, transpose_lhs_hint = false} : vector<512x128xf32>, vector<128x128xf32>, vector<512x128xf32> -> vector<512x128xf32>
    %get3A_58 = arith.constant 0 : index
    %get3A_59 = arith.constant 0 : index
    %get3A_60 = arith.constant 0 : index
    %get3A_61 = vector.load %arg8[%get3A_58, %get3A_59, %get3A_60] : memref<1x1x128xf32, #tpu.memory_space<vmem>>, vector<1x1x128xf32>
    %get3A_62 = vector.shape_cast %get3A_61 : vector<1x1x128xf32> to vector<1x128xf32>
    %add3A_63 = vector.broadcast %get3A_62 : vector<1x128xf32> to vector<512x128xf32>
    %add3A_64 = arith.addf %dot_general3A_57, %add3A_63 : vector<512x128xf32>
    %mul3A = arith.constant 0.255034864 : f32
    %mul3A_65 = vector.broadcast %mul3A : f32 to vector<512x128xf32>
    %mul3A_66 = arith.mulf %add3A_64, %mul3A_65 : vector<512x128xf32>
    %swap3A_67 = arith.constant 0 : index
    %swap3A_68 = arith.constant 0 : index
    %swap3A_69 = vector.load %arg14[%swap3A_67, %swap3A_68] : memref<512x128xf32, #tpu.memory_space<vmem>>, vector<512x128xf32>
    tpu.vector_store %arg14[%swap3A_67, %swap3A_68], %mul3A_66 {strides = array<i32>} : memref<512x128xf32, #tpu.memory_space<vmem>>, vector<512x128xf32>,
    %get3A_70 = arith.constant 0 : index
    %get3A_71 = arith.constant 0 : index
    %get3A_72 = arith.constant 0 : index
    %get3A_73 = vector.load %arg9[%get3A_70, %get3A_71, %get3A_72] : memref<1x128x128xf32, #tpu.memory_space<vmem>>, vector<1x128x128xf32>
    %get3A_74 = vector.shape_cast %get3A_73 : vector<1x128x128xf32> to vector<128x128xf32>
    %dot_general3A_75 = arith.constant dense<0.000000e+00> : vector<512x128xf32>
    %dot_general3A_76 = tpu.matmul %max3A_48, %get3A_74, %dot_general3A_75 {dimension_numbers = #tpu.dot_dimension_numbers<[1], [1], [0], [0], [0, 0, 1, 0], [], []>, transpose_lhs_hint = false} : vector<512x128xf32>, vector<128x128xf32>, vector<512x128xf32> -> vector<512x128xf32>
    %get3A_77 = arith.constant 0 : index
    %get3A_78 = arith.constant 0 : index
    %get3A_79 = arith.constant 0 : index
    %get3A_80 = vector.load %arg10[%get3A_77, %get3A_78, %get3A_79] : memref<1x1x128xf32, #tpu.memory_space<vmem>>, vector<1x1x128xf32>
    %get3A_81 = vector.shape_cast %get3A_80 : vector<1x1x128xf32> to vector<1x128xf32>
    %add3A_82 = vector.broadcast %get3A_81 : vector<1x128xf32> to vector<512x128xf32>
    %add3A_83 = arith.addf %dot_general3A_76, %add3A_82 : vector<512x128xf32>
    %convert_element_type3A = arith.truncf %add3A_83 : vector<512x128xf32> to vector<512x128xbf16>
    %swap3A_84 = arith.constant 0 : index
    %swap3A_85 = arith.constant 0 : index
    %swap3A_86 = vector.load %arg15[%swap3A_84, %swap3A_85] : memref<512x128xbf16, #tpu.memory_space<vmem>>, vector<512x128xbf16>
    tpu.vector_store %arg15[%swap3A_84, %swap3A_85], %convert_element_type3A {strides = array<i32>} : memref<512x128xbf16, #tpu.memory_space<vmem>>, vector<512x128xbf16>,
    %get3A_87 = arith.constant 0 : index
    %get3A_88 = arith.constant 0 : index
    %get3A_89 = arith.constant 0 : index
    %get3A_90 = vector.load %arg11[%get3A_87, %get3A_88, %get3A_89] : memref<1x128x128xf32, #tpu.memory_space<vmem>>, vector<1x128x128xf32>
    %get3A_91 = vector.shape_cast %get3A_90 : vector<1x128x128xf32> to vector<128x128xf32>
    %dot_general3A_92 = arith.constant dense<0.000000e+00> : vector<512x128xf32>
    %dot_general3A_93 = tpu.matmul %max3A_48, %get3A_91, %dot_general3A_92 {dimension_numbers = #tpu.dot_dimension_numbers<[1], [1], [0], [0], [0, 0, 1, 0], [], []>, transpose_lhs_hint = false} : vector<512x128xf32>, vector<128x128xf32>, vector<512x128xf32> -> vector<512x128xf32>
    %get3A_94 = arith.constant 0 : index
    %get3A_95 = arith.constant 0 : index
    %get3A_96 = arith.constant 0 : index
    %get3A_97 = vector.load %arg12[%get3A_94, %get3A_95, %get3A_96] : memref<1x1x128xf32, #tpu.memory_space<vmem>>, vector<1x1x128xf32>
    %get3A_98 = vector.shape_cast %get3A_97 : vector<1x1x128xf32> to vector<1x128xf32>
    %add3A_99 = vector.broadcast %get3A_98 : vector<1x128xf32> to vector<512x128xf32>
    %add3A_100 = arith.addf %dot_general3A_93, %add3A_99 : vector<512x128xf32>
    %broadcast_in_dim3A = arith.constant 1.000000e+00 : f32
    %broadcast_in_dim3A_101 = vector.broadcast %broadcast_in_dim3A : f32 to vector<512x32xf32>
    %slice3A = vector.extract_strided_slice %add3A_100 {offsets = [0, 0], sizes = [512, 32], strides = [1, 1]} : vector<512x128xf32> to vector<512x32xf32>
    %slice3A_102 = vector.extract_strided_slice %add3A_100 {offsets = [0, 32], sizes = [512, 32], strides = [1, 1]} : vector<512x128xf32> to vector<512x32xf32>
    %slice3A_103 = vector.extract_strided_slice %add3A_100 {offsets = [0, 64], sizes = [512, 32], strides = [1, 1]} : vector<512x128xf32> to vector<512x32xf32>
    %slice3A_104 = vector.extract_strided_slice %add3A_100 {offsets = [0, 96], sizes = [512, 32], strides = [1, 1]} : vector<512x128xf32> to vector<512x32xf32>
    %concatenate3A = tpu.concatenate %slice3A, %broadcast_in_dim3A_101, %slice3A_102, %broadcast_in_dim3A_101, %slice3A_103, %broadcast_in_dim3A_101, %slice3A_104, %broadcast_in_dim3A_101 in 1 : vector<512x32xf32>, vector<512x32xf32>, vector<512x32xf32>, vector<512x32xf32>, vector<512x32xf32>, vector<512x32xf32>, vector<512x32xf32>, vector<512x32xf32> -> vector<512x256xf32>
    %convert_element_type3A_105 = arith.truncf %concatenate3A : vector<512x256xf32> to vector<512x256xbf16>
    %swap3A_106 = arith.constant 0 : index
    %swap3A_107 = arith.constant 0 : index
    %swap3A_108 = vector.load %arg16[%swap3A_106, %swap3A_107] : memref<512x256xbf16, #tpu.memory_space<vmem>>, vector<512x256xbf16>
    tpu.vector_store %arg16[%swap3A_106, %swap3A_107], %convert_element_type3A_105 {strides = array<i32>} : memref<512x256xbf16, #tpu.memory_space<vmem>>, vector<512x256xbf16>,
    return
  }
  func.func @transform_0(%arg0: i32) -> (i32, i32, i32) {
    %c0_i32 = arith.constant 0 : i32
    %c0_i32_0 = arith.constant 0 : i32
    %c0_i32_1 = arith.constant 0 : i32
    return %c0_i32, %arg0, %c0_i32_0 : i32, i32, i32
  }
  func.func @transform_1(%arg0: i32) -> (i32, i32, i32) {
    %c0_i32 = arith.constant 0 : i32
    %c0_i32_0 = arith.constant 0 : i32
    %c0_i32_1 = arith.constant 0 : i32
    return %c0_i32, %arg0, %c0_i32_0 : i32, i32, i32
  }
  func.func @transform_2(%arg0: i32) -> (i32, i32) {
    %c0_i32 = arith.constant 0 : i32
    %c0_i32_0 = arith.constant 0 : i32
    return %arg0, %c0_i32 : i32, i32
  }
  func.func @transform_3(%arg0: i32) -> (i32, i32, i32) {
    %jit3A = arith.constant 8 : i32
    %div3A = arith.divsi %arg0, %jit3A : i32
    %sign3A = arith.constant 0 : i32
    %sign3A_0 = arith.cmpi sgt, %arg0, %sign3A : i32
    %sign3A_1 = arith.extui %sign3A_0 : i1 to i32
    %sign3A_2 = arith.constant 0 : i32
    %sign3A_3 = arith.cmpi slt, %arg0, %sign3A_2 : i32
    %sign3A_4 = arith.extui %sign3A_3 : i1 to i32
    %sign3A_5 = arith.subi %sign3A_1, %sign3A_4 : i32
    %sign3A_6 = arith.constant 0 : i32
    %sign3A_7 = arith.cmpi sgt, %jit3A, %sign3A_6 : i32
    %sign3A_8 = arith.extui %sign3A_7 : i1 to i32
    %sign3A_9 = arith.constant 0 : i32
    %sign3A_10 = arith.cmpi slt, %jit3A, %sign3A_9 : i32
    %sign3A_11 = arith.extui %sign3A_10 : i1 to i32
    %sign3A_12 = arith.subi %sign3A_8, %sign3A_11 : i32
    %ne3A = arith.cmpi ne, %sign3A_5, %sign3A_12 : i32
    %rem3A = arith.remsi %arg0, %jit3A : i32
    %ne3A_13 = arith.constant 0 : i32
    %ne3A_14 = arith.cmpi ne, %rem3A, %ne3A_13 : i32
    %and3A = arith.andi %ne3A, %ne3A_14 : i1
    %sub3A = arith.constant 1 : i32
    %sub3A_15 = arith.subi %div3A, %sub3A : i32
    %select_n3A = arith.select %and3A, %sub3A_15, %div3A : i32
    %c0_i32 = arith.constant 0 : i32
    %c0_i32_16 = arith.constant 0 : i32
    %c0_i32_17 = arith.constant 0 : i32
    return %select_n3A, %c0_i32, %c0_i32_16 : i32, i32, i32
  }
  func.func @transform_4(%arg0: i32) -> (i32, i32, i32) {
    %jit3A = arith.constant 8 : i32
    %div3A = arith.divsi %arg0, %jit3A : i32
    %sign3A = arith.constant 0 : i32
    %sign3A_0 = arith.cmpi sgt, %arg0, %sign3A : i32
    %sign3A_1 = arith.extui %sign3A_0 : i1 to i32
    %sign3A_2 = arith.constant 0 : i32
    %sign3A_3 = arith.cmpi slt, %arg0, %sign3A_2 : i32
    %sign3A_4 = arith.extui %sign3A_3 : i1 to i32
    %sign3A_5 = arith.subi %sign3A_1, %sign3A_4 : i32
    %sign3A_6 = arith.constant 0 : i32
    %sign3A_7 = arith.cmpi sgt, %jit3A, %sign3A_6 : i32
    %sign3A_8 = arith.extui %sign3A_7 : i1 to i32
    %sign3A_9 = arith.constant 0 : i32
    %sign3A_10 = arith.cmpi slt, %jit3A, %sign3A_9 : i32
    %sign3A_11 = arith.extui %sign3A_10 : i1 to i32
    %sign3A_12 = arith.subi %sign3A_8, %sign3A_11 : i32
    %ne3A = arith.cmpi ne, %sign3A_5, %sign3A_12 : i32
    %rem3A = arith.remsi %arg0, %jit3A : i32
    %ne3A_13 = arith.constant 0 : i32
    %ne3A_14 = arith.cmpi ne, %rem3A, %ne3A_13 : i32
    %and3A = arith.andi %ne3A, %ne3A_14 : i1
    %sub3A = arith.constant 1 : i32
    %sub3A_15 = arith.subi %div3A, %sub3A : i32
    %select_n3A = arith.select %and3A, %sub3A_15, %div3A : i32
    %c0_i32 = arith.constant 0 : i32
    %c0_i32_16 = arith.constant 0 : i32
    %c0_i32_17 = arith.constant 0 : i32
    return %select_n3A, %c0_i32, %c0_i32_16 : i32, i32, i32
  }
  func.func @transform_5(%arg0: i32) -> (i32, i32, i32) {
    %jit3A = arith.constant 8 : i32
    %div3A = arith.divsi %arg0, %jit3A : i32
    %sign3A = arith.constant 0 : i32
    %sign3A_0 = arith.cmpi sgt, %arg0, %sign3A : i32
    %sign3A_1 = arith.extui %sign3A_0 : i1 to i32
    %sign3A_2 = arith.constant 0 : i32
    %sign3A_3 = arith.cmpi slt, %arg0, %sign3A_2 : i32
    %sign3A_4 = arith.extui %sign3A_3 : i1 to i32
    %sign3A_5 = arith.subi %sign3A_1, %sign3A_4 : i32
    %sign3A_6 = arith.constant 0 : i32
    %sign3A_7 = arith.cmpi sgt, %jit3A, %sign3A_6 : i32
    %sign3A_8 = arith.extui %sign3A_7 : i1 to i32
    %sign3A_9 = arith.constant 0 : i32
    %sign3A_10 = arith.cmpi slt, %jit3A, %sign3A_9 : i32
    %sign3A_11 = arith.extui %sign3A_10 : i1 to i32
    %sign3A_12 = arith.subi %sign3A_8, %sign3A_11 : i32
    %ne3A = arith.cmpi ne, %sign3A_5, %sign3A_12 : i32
    %rem3A = arith.remsi %arg0, %jit3A : i32
    %ne3A_13 = arith.constant 0 : i32
    %ne3A_14 = arith.cmpi ne, %rem3A, %ne3A_13 : i32
    %and3A = arith.andi %ne3A, %ne3A_14 : i1
    %sub3A = arith.constant 1 : i32
    %sub3A_15 = arith.subi %div3A, %sub3A : i32
    %select_n3A = arith.select %and3A, %sub3A_15, %div3A : i32
    %c0_i32 = arith.constant 0 : i32
    %c0_i32_16 = arith.constant 0 : i32
    %c0_i32_17 = arith.constant 0 : i32
    return %select_n3A, %c0_i32, %c0_i32_16 : i32, i32, i32
  }
  func.func @transform_6(%arg0: i32) -> (i32, i32, i32) {
    %jit3A = arith.constant 8 : i32
    %div3A = arith.divsi %arg0, %jit3A : i32
    %sign3A = arith.constant 0 : i32
    %sign3A_0 = arith.cmpi sgt, %arg0, %sign3A : i32
    %sign3A_1 = arith.extui %sign3A_0 : i1 to i32
    %sign3A_2 = arith.constant 0 : i32
    %sign3A_3 = arith.cmpi slt, %arg0, %sign3A_2 : i32
    %sign3A_4 = arith.extui %sign3A_3 : i1 to i32
    %sign3A_5 = arith.subi %sign3A_1, %sign3A_4 : i32
    %sign3A_6 = arith.constant 0 : i32
    %sign3A_7 = arith.cmpi sgt, %jit3A, %sign3A_6 : i32
    %sign3A_8 = arith.extui %sign3A_7 : i1 to i32
    %sign3A_9 = arith.constant 0 : i32
    %sign3A_10 = arith.cmpi slt, %jit3A, %sign3A_9 : i32
    %sign3A_11 = arith.extui %sign3A_10 : i1 to i32
    %sign3A_12 = arith.subi %sign3A_8, %sign3A_11 : i32
    %ne3A = arith.cmpi ne, %sign3A_5, %sign3A_12 : i32
    %rem3A = arith.remsi %arg0, %jit3A : i32
    %ne3A_13 = arith.constant 0 : i32
    %ne3A_14 = arith.cmpi ne, %rem3A, %ne3A_13 : i32
    %and3A = arith.andi %ne3A, %ne3A_14 : i1
    %sub3A = arith.constant 1 : i32
    %sub3A_15 = arith.subi %div3A, %sub3A : i32
    %select_n3A = arith.select %and3A, %sub3A_15, %div3A : i32
    %c0_i32 = arith.constant 0 : i32
    %c0_i32_16 = arith.constant 0 : i32
    %c0_i32_17 = arith.constant 0 : i32
    return %select_n3A, %c0_i32, %c0_i32_16 : i32, i32, i32
  }
  func.func @transform_7(%arg0: i32) -> (i32, i32, i32) {
    %jit3A = arith.constant 8 : i32
    %div3A = arith.divsi %arg0, %jit3A : i32
    %sign3A = arith.constant 0 : i32
    %sign3A_0 = arith.cmpi sgt, %arg0, %sign3A : i32
    %sign3A_1 = arith.extui %sign3A_0 : i1 to i32
    %sign3A_2 = arith.constant 0 : i32
    %sign3A_3 = arith.cmpi slt, %arg0, %sign3A_2 : i32
    %sign3A_4 = arith.extui %sign3A_3 : i1 to i32
    %sign3A_5 = arith.subi %sign3A_1, %sign3A_4 : i32
    %sign3A_6 = arith.constant 0 : i32
    %sign3A_7 = arith.cmpi sgt, %jit3A, %sign3A_6 : i32
    %sign3A_8 = arith.extui %sign3A_7 : i1 to i32
    %sign3A_9 = arith.constant 0 : i32
    %sign3A_10 = arith.cmpi slt, %jit3A, %sign3A_9 : i32
    %sign3A_11 = arith.extui %sign3A_10 : i1 to i32
    %sign3A_12 = arith.subi %sign3A_8, %sign3A_11 : i32
    %ne3A = arith.cmpi ne, %sign3A_5, %sign3A_12 : i32
    %rem3A = arith.remsi %arg0, %jit3A : i32
    %ne3A_13 = arith.constant 0 : i32
    %ne3A_14 = arith.cmpi ne, %rem3A, %ne3A_13 : i32
    %and3A = arith.andi %ne3A, %ne3A_14 : i1
    %sub3A = arith.constant 1 : i32
    %sub3A_15 = arith.subi %div3A, %sub3A : i32
    %select_n3A = arith.select %and3A, %sub3A_15, %div3A : i32
    %c0_i32 = arith.constant 0 : i32
    %c0_i32_16 = arith.constant 0 : i32
    %c0_i32_17 = arith.constant 0 : i32
    return %select_n3A, %c0_i32, %c0_i32_16 : i32, i32, i32
  }
  func.func @transform_8(%arg0: i32) -> (i32, i32, i32) {
    %jit3A = arith.constant 8 : i32
    %div3A = arith.divsi %arg0, %jit3A : i32
    %sign3A = arith.constant 0 : i32
    %sign3A_0 = arith.cmpi sgt, %arg0, %sign3A : i32
    %sign3A_1 = arith.extui %sign3A_0 : i1 to i32
    %sign3A_2 = arith.constant 0 : i32
    %sign3A_3 = arith.cmpi slt, %arg0, %sign3A_2 : i32
    %sign3A_4 = arith.extui %sign3A_3 : i1 to i32
    %sign3A_5 = arith.subi %sign3A_1, %sign3A_4 : i32
    %sign3A_6 = arith.constant 0 : i32
    %sign3A_7 = arith.cmpi sgt, %jit3A, %sign3A_6 : i32
    %sign3A_8 = arith.extui %sign3A_7 : i1 to i32
    %sign3A_9 = arith.constant 0 : i32
    %sign3A_10 = arith.cmpi slt, %jit3A, %sign3A_9 : i32
    %sign3A_11 = arith.extui %sign3A_10 : i1 to i32
    %sign3A_12 = arith.subi %sign3A_8, %sign3A_11 : i32
    %ne3A = arith.cmpi ne, %sign3A_5, %sign3A_12 : i32
    %rem3A = arith.remsi %arg0, %jit3A : i32
    %ne3A_13 = arith.constant 0 : i32
    %ne3A_14 = arith.cmpi ne, %rem3A, %ne3A_13 : i32
    %and3A = arith.andi %ne3A, %ne3A_14 : i1
    %sub3A = arith.constant 1 : i32
    %sub3A_15 = arith.subi %div3A, %sub3A : i32
    %select_n3A = arith.select %and3A, %sub3A_15, %div3A : i32
    %c0_i32 = arith.constant 0 : i32
    %c0_i32_16 = arith.constant 0 : i32
    %c0_i32_17 = arith.constant 0 : i32
    return %select_n3A, %c0_i32, %c0_i32_16 : i32, i32, i32
  }
  func.func @transform_9(%arg0: i32) -> (i32, i32, i32) {
    %jit3A = arith.constant 8 : i32
    %div3A = arith.divsi %arg0, %jit3A : i32
    %sign3A = arith.constant 0 : i32
    %sign3A_0 = arith.cmpi sgt, %arg0, %sign3A : i32
    %sign3A_1 = arith.extui %sign3A_0 : i1 to i32
    %sign3A_2 = arith.constant 0 : i32
    %sign3A_3 = arith.cmpi slt, %arg0, %sign3A_2 : i32
    %sign3A_4 = arith.extui %sign3A_3 : i1 to i32
    %sign3A_5 = arith.subi %sign3A_1, %sign3A_4 : i32
    %sign3A_6 = arith.constant 0 : i32
    %sign3A_7 = arith.cmpi sgt, %jit3A, %sign3A_6 : i32
    %sign3A_8 = arith.extui %sign3A_7 : i1 to i32
    %sign3A_9 = arith.constant 0 : i32
    %sign3A_10 = arith.cmpi slt, %jit3A, %sign3A_9 : i32
    %sign3A_11 = arith.extui %sign3A_10 : i1 to i32
    %sign3A_12 = arith.subi %sign3A_8, %sign3A_11 : i32
    %ne3A = arith.cmpi ne, %sign3A_5, %sign3A_12 : i32
    %rem3A = arith.remsi %arg0, %jit3A : i32
    %ne3A_13 = arith.constant 0 : i32
    %ne3A_14 = arith.cmpi ne, %rem3A, %ne3A_13 : i32
    %and3A = arith.andi %ne3A, %ne3A_14 : i1
    %sub3A = arith.constant 1 : i32
    %sub3A_15 = arith.subi %div3A, %sub3A : i32
    %select_n3A = arith.select %and3A, %sub3A_15, %div3A : i32
    %c0_i32 = arith.constant 0 : i32
    %c0_i32_16 = arith.constant 0 : i32
    %c0_i32_17 = arith.constant 0 : i32
    return %select_n3A, %c0_i32, %c0_i32_16 : i32, i32, i32
  }
  func.func @transform_10(%arg0: i32) -> (i32, i32, i32) {
    %jit3A = arith.constant 8 : i32
    %div3A = arith.divsi %arg0, %jit3A : i32
    %sign3A = arith.constant 0 : i32
    %sign3A_0 = arith.cmpi sgt, %arg0, %sign3A : i32
    %sign3A_1 = arith.extui %sign3A_0 : i1 to i32
    %sign3A_2 = arith.constant 0 : i32
    %sign3A_3 = arith.cmpi slt, %arg0, %sign3A_2 : i32
    %sign3A_4 = arith.extui %sign3A_3 : i1 to i32
    %sign3A_5 = arith.subi %sign3A_1, %sign3A_4 : i32
    %sign3A_6 = arith.constant 0 : i32
    %sign3A_7 = arith.cmpi sgt, %jit3A, %sign3A_6 : i32
    %sign3A_8 = arith.extui %sign3A_7 : i1 to i32
    %sign3A_9 = arith.constant 0 : i32
    %sign3A_10 = arith.cmpi slt, %jit3A, %sign3A_9 : i32
    %sign3A_11 = arith.extui %sign3A_10 : i1 to i32
    %sign3A_12 = arith.subi %sign3A_8, %sign3A_11 : i32
    %ne3A = arith.cmpi ne, %sign3A_5, %sign3A_12 : i32
    %rem3A = arith.remsi %arg0, %jit3A : i32
    %ne3A_13 = arith.constant 0 : i32
    %ne3A_14 = arith.cmpi ne, %rem3A, %ne3A_13 : i32
    %and3A = arith.andi %ne3A, %ne3A_14 : i1
    %sub3A = arith.constant 1 : i32
    %sub3A_15 = arith.subi %div3A, %sub3A : i32
    %select_n3A = arith.select %and3A, %sub3A_15, %div3A : i32
    %c0_i32 = arith.constant 0 : i32
    %c0_i32_16 = arith.constant 0 : i32
    %c0_i32_17 = arith.constant 0 : i32
    return %select_n3A, %c0_i32, %c0_i32_16 : i32, i32, i32
  }
  func.func @transform_11(%arg0: i32) -> (i32, i32, i32) {
    %jit3A = arith.constant 8 : i32
    %div3A = arith.divsi %arg0, %jit3A : i32
    %sign3A = arith.constant 0 : i32
    %sign3A_0 = arith.cmpi sgt, %arg0, %sign3A : i32
    %sign3A_1 = arith.extui %sign3A_0 : i1 to i32
    %sign3A_2 = arith.constant 0 : i32
    %sign3A_3 = arith.cmpi slt, %arg0, %sign3A_2 : i32
    %sign3A_4 = arith.extui %sign3A_3 : i1 to i32
    %sign3A_5 = arith.subi %sign3A_1, %sign3A_4 : i32
    %sign3A_6 = arith.constant 0 : i32
    %sign3A_7 = arith.cmpi sgt, %jit3A, %sign3A_6 : i32
    %sign3A_8 = arith.extui %sign3A_7 : i1 to i32
    %sign3A_9 = arith.constant 0 : i32
    %sign3A_10 = arith.cmpi slt, %jit3A, %sign3A_9 : i32
    %sign3A_11 = arith.extui %sign3A_10 : i1 to i32
    %sign3A_12 = arith.subi %sign3A_8, %sign3A_11 : i32
    %ne3A = arith.cmpi ne, %sign3A_5, %sign3A_12 : i32
    %rem3A = arith.remsi %arg0, %jit3A : i32
    %ne3A_13 = arith.constant 0 : i32
    %ne3A_14 = arith.cmpi ne, %rem3A, %ne3A_13 : i32
    %and3A = arith.andi %ne3A, %ne3A_14 : i1
    %sub3A = arith.constant 1 : i32
    %sub3A_15 = arith.subi %div3A, %sub3A : i32
    %select_n3A = arith.select %and3A, %sub3A_15, %div3A : i32
    %c0_i32 = arith.constant 0 : i32
    %c0_i32_16 = arith.constant 0 : i32
    %c0_i32_17 = arith.constant 0 : i32
    return %select_n3A, %c0_i32, %c0_i32_16 : i32, i32, i32
  }
  func.func @transform_12(%arg0: i32) -> (i32, i32) {
    %c0_i32 = arith.constant 0 : i32
    %c0_i32_0 = arith.constant 0 : i32
    return %arg0, %c0_i32 : i32, i32
  }
  func.func @transform_13(%arg0: i32) -> (i32, i32) {
    %c0_i32 = arith.constant 0 : i32
    %c0_i32_0 = arith.constant 0 : i32
    return %arg0, %c0_i32 : i32, i32
  }
  func.func @transform_14(%arg0: i32) -> (i32, i32) {
    %add3A = arith.constant 8 : i32
    %add3A_0 = arith.addi %arg0, %add3A : i32
    %jit3A = arith.constant 16 : i32
    %eq3A = arith.constant 0 : i32
    %eq3A_1 = arith.cmpi eq, %jit3A, %eq3A : i32
    %jit3A_2 = arith.constant 1 : i32
    %select_n3A = arith.select %eq3A_1, %jit3A_2, %jit3A : i32
    %rem3A = arith.remsi %add3A_0, %select_n3A : i32
    %ne3A = arith.constant 0 : i32
    %ne3A_3 = arith.cmpi ne, %rem3A, %ne3A : i32
    %lt3A = arith.constant 0 : i32
    %lt3A_4 = arith.cmpi slt, %rem3A, %lt3A : i32
    %lt3A_5 = arith.constant 0 : i32
    %lt3A_6 = arith.cmpi slt, %select_n3A, %lt3A_5 : i32
    %ne3A_7 = arith.xori %lt3A_4, %lt3A_6 : i1
    %and3A = arith.andi %ne3A_7, %ne3A_3 : i1
    %add3A_8 = arith.addi %rem3A, %select_n3A : i32
    %select_n3A_9 = arith.select %and3A, %add3A_8, %rem3A : i32
    %c0_i32 = arith.constant 0 : i32
    %c0_i32_10 = arith.constant 0 : i32
    return %select_n3A_9, %c0_i32 : i32, i32
  }
  func.func @transform_15(%arg0: i32) -> (i32, i32) {
    %add3A = arith.constant 8 : i32
    %add3A_0 = arith.addi %arg0, %add3A : i32
    %jit3A = arith.constant 16 : i32
    %eq3A = arith.constant 0 : i32
    %eq3A_1 = arith.cmpi eq, %jit3A, %eq3A : i32
    %jit3A_2 = arith.constant 1 : i32
    %select_n3A = arith.select %eq3A_1, %jit3A_2, %jit3A : i32
    %rem3A = arith.remsi %add3A_0, %select_n3A : i32
    %ne3A = arith.constant 0 : i32
    %ne3A_3 = arith.cmpi ne, %rem3A, %ne3A : i32
    %lt3A = arith.constant 0 : i32
    %lt3A_4 = arith.cmpi slt, %rem3A, %lt3A : i32
    %lt3A_5 = arith.constant 0 : i32
    %lt3A_6 = arith.cmpi slt, %select_n3A, %lt3A_5 : i32
    %ne3A_7 = arith.xori %lt3A_4, %lt3A_6 : i1
    %and3A = arith.andi %ne3A_7, %ne3A_3 : i1
    %add3A_8 = arith.addi %rem3A, %select_n3A : i32
    %select_n3A_9 = arith.select %and3A, %add3A_8, %rem3A : i32
    %c0_i32 = arith.constant 0 : i32
    %c0_i32_10 = arith.constant 0 : i32
    return %select_n3A_9, %c0_i32 : i32, i32
  }
}

module attributes {stable_mosaic.version = 14 : i64} {
  func.func @body(%arg0: i32, %arg1: memref<256x128xf32, #tpu.memory_space<vmem>>, %arg2: memref<1x4096x128xbf16, #tpu.memory_space<vmem>>, %arg3: memref<1x4096x256xbf16, #tpu.memory_space<vmem>>, %arg4: memref<256x128xf32, #tpu.memory_space<vmem>>, %arg5: memref<256x128xf32, #tpu.memory_space<vmem>>) attributes {dimension_semantics = [#tpu.dimension_semantics<arbitrary>], iteration_bounds = array<i64: 32>, scalar_prefetch = 0 : i64, scratch_operands = 0 : i64, tpu.core_type = #tpu.core_type<tc>, window_params = [{transform_indices = @transform_0, window_bounds = array<i64: 256, 128>}, {transform_indices = @transform_1, window_bounds = array<i64: 1, 4096, 128>}, {transform_indices = @transform_2, window_bounds = array<i64: 1, 4096, 256>}, {transform_indices = @transform_3, window_bounds = array<i64: 256, 128>}, {transform_indices = @transform_4, window_bounds = array<i64: 256, 128>}]} {
    %get3A = arith.constant 0 : index
    %get3A_0 = arith.constant 0 : index
    %get3A_1 = arith.constant 0 : index
    %get3A_2 = vector.load %arg2[%get3A, %get3A_0, %get3A_1] : memref<1x4096x128xbf16, #tpu.memory_space<vmem>>, vector<1x4096x128xbf16>
    %get3A_3 = vector.shape_cast %get3A_2 : vector<1x4096x128xbf16> to vector<4096x128xbf16>
    %get3A_4 = arith.constant 0 : index
    %get3A_5 = arith.constant 0 : index
    %get3A_6 = arith.constant 0 : index
    %get3A_7 = vector.load %arg3[%get3A_4, %get3A_5, %get3A_6] : memref<1x4096x256xbf16, #tpu.memory_space<vmem>>, vector<1x4096x256xbf16>
    %get3A_8 = vector.shape_cast %get3A_7 : vector<1x4096x256xbf16> to vector<4096x256xbf16>
    %get3A_9 = arith.constant 0 : index
    %get3A_10 = arith.constant 0 : index
    %get3A_11 = vector.load %arg1[%get3A_9, %get3A_10] : memref<256x128xf32, #tpu.memory_space<vmem>>, vector<256x32xf32>
    %convert_element_type3A = arith.truncf %get3A_11 : vector<256x32xf32> to vector<256x32xbf16>
    %slice3A = vector.extract_strided_slice %get3A_3 {offsets = [0, 0], sizes = [4096, 32], strides = [1, 1]} : vector<4096x128xbf16> to vector<4096x32xbf16>
    %dot_general3A = arith.constant dense<0.000000e+00> : vector<256x4096xf32>
    %dot_general3A_12 = tpu.matmul %convert_element_type3A, %slice3A, %dot_general3A {dimension_numbers = #tpu.dot_dimension_numbers<[1], [1], [0], [0], [0, 0, 1, 0], [], []>, transpose_lhs_hint = false} : vector<256x32xbf16>, vector<4096x32xbf16>, vector<256x4096xf32> -> vector<256x4096xf32>
    %reduce_max3A = arith.constant dense<0xFF800000> : vector<256xf32>
    %reduce_max3A_13 = vector.multi_reduction <maximumf>, %dot_general3A_12, %reduce_max3A [1] : vector<256x4096xf32> to vector<256xf32>
    %broadcast_in_dim3A = vector.shape_cast %reduce_max3A_13 : vector<256xf32> to vector<256x1xf32>
    %sub3A = vector.broadcast %broadcast_in_dim3A : vector<256x1xf32> to vector<256x4096xf32>
    %sub3A_14 = arith.subf %dot_general3A_12, %sub3A : vector<256x4096xf32>
    %exp23A = math.exp2 %sub3A_14 : vector<256x4096xf32>
    %convert_element_type3A_15 = arith.truncf %exp23A : vector<256x4096xf32> to vector<256x4096xbf16>
    %slice3A_16 = vector.extract_strided_slice %get3A_8 {offsets = [0, 0], sizes = [4096, 64], strides = [1, 1]} : vector<4096x256xbf16> to vector<4096x64xbf16>
    %dot_general3A_17 = arith.constant dense<0.000000e+00> : vector<256x64xf32>
    %dot_general3A_18 = tpu.matmul %convert_element_type3A_15, %slice3A_16, %dot_general3A_17 {dimension_numbers = #tpu.dot_dimension_numbers<[1], [0], [0], [1], [0, 0, 1, 1], [], []>, transpose_lhs_hint = false} : vector<256x4096xbf16>, vector<4096x64xbf16>, vector<256x64xf32> -> vector<256x64xf32>
    %slice3A_19 = vector.extract_strided_slice %dot_general3A_18 {offsets = [0, 0], sizes = [256, 32], strides = [1, 1]} : vector<256x64xf32> to vector<256x32xf32>
    %slice3A_20 = vector.extract_strided_slice %dot_general3A_18 {offsets = [0, 32], sizes = [256, 32], strides = [1, 1]} : vector<256x64xf32> to vector<256x32xf32>
    %div3A = arith.divf %slice3A_19, %slice3A_20 : vector<256x32xf32>
    %get3A_21 = arith.constant 0 : index
    %get3A_22 = arith.constant 32 : index
    %get3A_23 = vector.load %arg1[%get3A_21, %get3A_22] : memref<256x128xf32, #tpu.memory_space<vmem>>, vector<256x32xf32>
    %convert_element_type3A_24 = arith.truncf %get3A_23 : vector<256x32xf32> to vector<256x32xbf16>
    %slice3A_25 = vector.extract_strided_slice %get3A_3 {offsets = [0, 32], sizes = [4096, 32], strides = [1, 1]} : vector<4096x128xbf16> to vector<4096x32xbf16>
    %dot_general3A_26 = arith.constant dense<0.000000e+00> : vector<256x4096xf32>
    %dot_general3A_27 = tpu.matmul %convert_element_type3A_24, %slice3A_25, %dot_general3A_26 {dimension_numbers = #tpu.dot_dimension_numbers<[1], [1], [0], [0], [0, 0, 1, 0], [], []>, transpose_lhs_hint = false} : vector<256x32xbf16>, vector<4096x32xbf16>, vector<256x4096xf32> -> vector<256x4096xf32>
    %reduce_max3A_28 = arith.constant dense<0xFF800000> : vector<256xf32>
    %reduce_max3A_29 = vector.multi_reduction <maximumf>, %dot_general3A_27, %reduce_max3A_28 [1] : vector<256x4096xf32> to vector<256xf32>
    %broadcast_in_dim3A_30 = vector.shape_cast %reduce_max3A_29 : vector<256xf32> to vector<256x1xf32>
    %sub3A_31 = vector.broadcast %broadcast_in_dim3A_30 : vector<256x1xf32> to vector<256x4096xf32>
    %sub3A_32 = arith.subf %dot_general3A_27, %sub3A_31 : vector<256x4096xf32>
    %exp23A_33 = math.exp2 %sub3A_32 : vector<256x4096xf32>
    %convert_element_type3A_34 = arith.truncf %exp23A_33 : vector<256x4096xf32> to vector<256x4096xbf16>
    %slice3A_35 = vector.extract_strided_slice %get3A_8 {offsets = [0, 64], sizes = [4096, 64], strides = [1, 1]} : vector<4096x256xbf16> to vector<4096x64xbf16>
    %dot_general3A_36 = arith.constant dense<0.000000e+00> : vector<256x64xf32>
    %dot_general3A_37 = tpu.matmul %convert_element_type3A_34, %slice3A_35, %dot_general3A_36 {dimension_numbers = #tpu.dot_dimension_numbers<[1], [0], [0], [1], [0, 0, 1, 1], [], []>, transpose_lhs_hint = false} : vector<256x4096xbf16>, vector<4096x64xbf16>, vector<256x64xf32> -> vector<256x64xf32>
    %slice3A_38 = vector.extract_strided_slice %dot_general3A_37 {offsets = [0, 0], sizes = [256, 32], strides = [1, 1]} : vector<256x64xf32> to vector<256x32xf32>
    %slice3A_39 = vector.extract_strided_slice %dot_general3A_37 {offsets = [0, 32], sizes = [256, 32], strides = [1, 1]} : vector<256x64xf32> to vector<256x32xf32>
    %div3A_40 = arith.divf %slice3A_38, %slice3A_39 : vector<256x32xf32>
    %get3A_41 = arith.constant 0 : index
    %get3A_42 = arith.constant 64 : index
    %get3A_43 = vector.load %arg1[%get3A_41, %get3A_42] : memref<256x128xf32, #tpu.memory_space<vmem>>, vector<256x32xf32>
    %convert_element_type3A_44 = arith.truncf %get3A_43 : vector<256x32xf32> to vector<256x32xbf16>
    %slice3A_45 = vector.extract_strided_slice %get3A_3 {offsets = [0, 64], sizes = [4096, 32], strides = [1, 1]} : vector<4096x128xbf16> to vector<4096x32xbf16>
    %dot_general3A_46 = arith.constant dense<0.000000e+00> : vector<256x4096xf32>
    %dot_general3A_47 = tpu.matmul %convert_element_type3A_44, %slice3A_45, %dot_general3A_46 {dimension_numbers = #tpu.dot_dimension_numbers<[1], [1], [0], [0], [0, 0, 1, 0], [], []>, transpose_lhs_hint = false} : vector<256x32xbf16>, vector<4096x32xbf16>, vector<256x4096xf32> -> vector<256x4096xf32>
    %reduce_max3A_48 = arith.constant dense<0xFF800000> : vector<256xf32>
    %reduce_max3A_49 = vector.multi_reduction <maximumf>, %dot_general3A_47, %reduce_max3A_48 [1] : vector<256x4096xf32> to vector<256xf32>
    %broadcast_in_dim3A_50 = vector.shape_cast %reduce_max3A_49 : vector<256xf32> to vector<256x1xf32>
    %sub3A_51 = vector.broadcast %broadcast_in_dim3A_50 : vector<256x1xf32> to vector<256x4096xf32>
    %sub3A_52 = arith.subf %dot_general3A_47, %sub3A_51 : vector<256x4096xf32>
    %exp23A_53 = math.exp2 %sub3A_52 : vector<256x4096xf32>
    %convert_element_type3A_54 = arith.truncf %exp23A_53 : vector<256x4096xf32> to vector<256x4096xbf16>
    %slice3A_55 = vector.extract_strided_slice %get3A_8 {offsets = [0, 128], sizes = [4096, 64], strides = [1, 1]} : vector<4096x256xbf16> to vector<4096x64xbf16>
    %dot_general3A_56 = arith.constant dense<0.000000e+00> : vector<256x64xf32>
    %dot_general3A_57 = tpu.matmul %convert_element_type3A_54, %slice3A_55, %dot_general3A_56 {dimension_numbers = #tpu.dot_dimension_numbers<[1], [0], [0], [1], [0, 0, 1, 1], [], []>, transpose_lhs_hint = false} : vector<256x4096xbf16>, vector<4096x64xbf16>, vector<256x64xf32> -> vector<256x64xf32>
    %slice3A_58 = vector.extract_strided_slice %dot_general3A_57 {offsets = [0, 0], sizes = [256, 32], strides = [1, 1]} : vector<256x64xf32> to vector<256x32xf32>
    %slice3A_59 = vector.extract_strided_slice %dot_general3A_57 {offsets = [0, 32], sizes = [256, 32], strides = [1, 1]} : vector<256x64xf32> to vector<256x32xf32>
    %div3A_60 = arith.divf %slice3A_58, %slice3A_59 : vector<256x32xf32>
    %get3A_61 = arith.constant 0 : index
    %get3A_62 = arith.constant 96 : index
    %get3A_63 = vector.load %arg1[%get3A_61, %get3A_62] : memref<256x128xf32, #tpu.memory_space<vmem>>, vector<256x32xf32>
    %convert_element_type3A_64 = arith.truncf %get3A_63 : vector<256x32xf32> to vector<256x32xbf16>
    %slice3A_65 = vector.extract_strided_slice %get3A_3 {offsets = [0, 96], sizes = [4096, 32], strides = [1, 1]} : vector<4096x128xbf16> to vector<4096x32xbf16>
    %dot_general3A_66 = arith.constant dense<0.000000e+00> : vector<256x4096xf32>
    %dot_general3A_67 = tpu.matmul %convert_element_type3A_64, %slice3A_65, %dot_general3A_66 {dimension_numbers = #tpu.dot_dimension_numbers<[1], [1], [0], [0], [0, 0, 1, 0], [], []>, transpose_lhs_hint = false} : vector<256x32xbf16>, vector<4096x32xbf16>, vector<256x4096xf32> -> vector<256x4096xf32>
    %reduce_max3A_68 = arith.constant dense<0xFF800000> : vector<256xf32>
    %reduce_max3A_69 = vector.multi_reduction <maximumf>, %dot_general3A_67, %reduce_max3A_68 [1] : vector<256x4096xf32> to vector<256xf32>
    %broadcast_in_dim3A_70 = vector.shape_cast %reduce_max3A_69 : vector<256xf32> to vector<256x1xf32>
    %sub3A_71 = vector.broadcast %broadcast_in_dim3A_70 : vector<256x1xf32> to vector<256x4096xf32>
    %sub3A_72 = arith.subf %dot_general3A_67, %sub3A_71 : vector<256x4096xf32>
    %exp23A_73 = math.exp2 %sub3A_72 : vector<256x4096xf32>
    %convert_element_type3A_74 = arith.truncf %exp23A_73 : vector<256x4096xf32> to vector<256x4096xbf16>
    %slice3A_75 = vector.extract_strided_slice %get3A_8 {offsets = [0, 192], sizes = [4096, 64], strides = [1, 1]} : vector<4096x256xbf16> to vector<4096x64xbf16>
    %dot_general3A_76 = arith.constant dense<0.000000e+00> : vector<256x64xf32>
    %dot_general3A_77 = tpu.matmul %convert_element_type3A_74, %slice3A_75, %dot_general3A_76 {dimension_numbers = #tpu.dot_dimension_numbers<[1], [0], [0], [1], [0, 0, 1, 1], [], []>, transpose_lhs_hint = false} : vector<256x4096xbf16>, vector<4096x64xbf16>, vector<256x64xf32> -> vector<256x64xf32>
    %slice3A_78 = vector.extract_strided_slice %dot_general3A_77 {offsets = [0, 0], sizes = [256, 32], strides = [1, 1]} : vector<256x64xf32> to vector<256x32xf32>
    %slice3A_79 = vector.extract_strided_slice %dot_general3A_77 {offsets = [0, 32], sizes = [256, 32], strides = [1, 1]} : vector<256x64xf32> to vector<256x32xf32>
    %div3A_80 = arith.divf %slice3A_78, %slice3A_79 : vector<256x32xf32>
    %get3A_81 = arith.constant 0 : index
    %get3A_82 = arith.constant 0 : index
    %get3A_83 = vector.load %arg4[%get3A_81, %get3A_82] : memref<256x128xf32, #tpu.memory_space<vmem>>, vector<256x128xf32>
    %concatenate3A = tpu.concatenate %div3A, %div3A_40, %div3A_60, %div3A_80 in 1 : vector<256x32xf32>, vector<256x32xf32>, vector<256x32xf32>, vector<256x32xf32> -> vector<256x128xf32>
    %add3A = arith.addf %get3A_83, %concatenate3A : vector<256x128xf32>
    %swap3A = arith.constant 0 : index
    %swap3A_84 = arith.constant 0 : index
    %swap3A_85 = vector.load %arg5[%swap3A, %swap3A_84] : memref<256x128xf32, #tpu.memory_space<vmem>>, vector<256x128xf32>
    tpu.vector_store %arg5[%swap3A, %swap3A_84], %add3A {strides = array<i32>} : memref<256x128xf32, #tpu.memory_space<vmem>>, vector<256x128xf32>,
    return
  }
  func.func @transform_0(%arg0: i32) -> (i32, i32) {
    %c0_i32 = arith.constant 0 : i32
    %c0_i32_0 = arith.constant 0 : i32
    return %arg0, %c0_i32 : i32, i32
  }
  func.func @transform_1(%arg0: i32) -> (i32, i32, i32) {
    %jit3A = arith.constant 16 : i32
    %div3A = arith.divsi %arg0, %jit3A : i32
    %sign3A = arith.constant 0 : i32
    %sign3A_0 = arith.cmpi sgt, %arg0, %sign3A : i32
    %sign3A_1 = arith.extui %sign3A_0 : i1 to i32
    %sign3A_2 = arith.constant 0 : i32
    %sign3A_3 = arith.cmpi slt, %arg0, %sign3A_2 : i32
    %sign3A_4 = arith.extui %sign3A_3 : i1 to i32
    %sign3A_5 = arith.subi %sign3A_1, %sign3A_4 : i32
    %sign3A_6 = arith.constant 0 : i32
    %sign3A_7 = arith.cmpi sgt, %jit3A, %sign3A_6 : i32
    %sign3A_8 = arith.extui %sign3A_7 : i1 to i32
    %sign3A_9 = arith.constant 0 : i32
    %sign3A_10 = arith.cmpi slt, %jit3A, %sign3A_9 : i32
    %sign3A_11 = arith.extui %sign3A_10 : i1 to i32
    %sign3A_12 = arith.subi %sign3A_8, %sign3A_11 : i32
    %ne3A = arith.cmpi ne, %sign3A_5, %sign3A_12 : i32
    %rem3A = arith.remsi %arg0, %jit3A : i32
    %ne3A_13 = arith.constant 0 : i32
    %ne3A_14 = arith.cmpi ne, %rem3A, %ne3A_13 : i32
    %and3A = arith.andi %ne3A, %ne3A_14 : i1
    %sub3A = arith.constant 1 : i32
    %sub3A_15 = arith.subi %div3A, %sub3A : i32
    %select_n3A = arith.select %and3A, %sub3A_15, %div3A : i32
    %c0_i32 = arith.constant 0 : i32
    %c0_i32_16 = arith.constant 0 : i32
    %c0_i32_17 = arith.constant 0 : i32
    return %select_n3A, %c0_i32, %c0_i32_16 : i32, i32, i32
  }
  func.func @transform_2(%arg0: i32) -> (i32, i32, i32) {
    %jit3A = arith.constant 16 : i32
    %div3A = arith.divsi %arg0, %jit3A : i32
    %sign3A = arith.constant 0 : i32
    %sign3A_0 = arith.cmpi sgt, %arg0, %sign3A : i32
    %sign3A_1 = arith.extui %sign3A_0 : i1 to i32
    %sign3A_2 = arith.constant 0 : i32
    %sign3A_3 = arith.cmpi slt, %arg0, %sign3A_2 : i32
    %sign3A_4 = arith.extui %sign3A_3 : i1 to i32
    %sign3A_5 = arith.subi %sign3A_1, %sign3A_4 : i32
    %sign3A_6 = arith.constant 0 : i32
    %sign3A_7 = arith.cmpi sgt, %jit3A, %sign3A_6 : i32
    %sign3A_8 = arith.extui %sign3A_7 : i1 to i32
    %sign3A_9 = arith.constant 0 : i32
    %sign3A_10 = arith.cmpi slt, %jit3A, %sign3A_9 : i32
    %sign3A_11 = arith.extui %sign3A_10 : i1 to i32
    %sign3A_12 = arith.subi %sign3A_8, %sign3A_11 : i32
    %ne3A = arith.cmpi ne, %sign3A_5, %sign3A_12 : i32
    %rem3A = arith.remsi %arg0, %jit3A : i32
    %ne3A_13 = arith.constant 0 : i32
    %ne3A_14 = arith.cmpi ne, %rem3A, %ne3A_13 : i32
    %and3A = arith.andi %ne3A, %ne3A_14 : i1
    %sub3A = arith.constant 1 : i32
    %sub3A_15 = arith.subi %div3A, %sub3A : i32
    %select_n3A = arith.select %and3A, %sub3A_15, %div3A : i32
    %c0_i32 = arith.constant 0 : i32
    %c0_i32_16 = arith.constant 0 : i32
    %c0_i32_17 = arith.constant 0 : i32
    return %select_n3A, %c0_i32, %c0_i32_16 : i32, i32, i32
  }
  func.func @transform_3(%arg0: i32) -> (i32, i32) {
    %c0_i32 = arith.constant 0 : i32
    %c0_i32_0 = arith.constant 0 : i32
    return %arg0, %c0_i32 : i32, i32
  }
  func.func @transform_4(%arg0: i32) -> (i32, i32) {
    %c0_i32 = arith.constant 0 : i32
    %c0_i32_0 = arith.constant 0 : i32
    return %arg0, %c0_i32 : i32, i32
  }
}

module attributes {stable_mosaic.version = 14 : i64} {
  func.func @body(%arg0: i32, %arg1: memref<1x4096x128xf32, #tpu.memory_space<vmem>>, %arg2: memref<1x4096x128xf32, #tpu.memory_space<vmem>>, %arg3: memref<4096x1xi32, #tpu.memory_space<vmem>>, %arg4: memref<4096x1xi32, #tpu.memory_space<vmem>>, %arg5: memref<128x256xf32, #tpu.memory_space<vmem>>, %arg6: memref<1x128xf32, #tpu.memory_space<vmem>>, %arg7: memref<1x128xf32, #tpu.memory_space<vmem>>, %arg8: memref<1x1xf32, #tpu.memory_space<vmem>>, %arg9: memref<64x1xf32, #tpu.memory_space<vmem>>) attributes {dimension_semantics = [#tpu.dimension_semantics<arbitrary>], iteration_bounds = array<i64: 1>, scalar_prefetch = 0 : i64, scratch_operands = 0 : i64, tpu.core_type = #tpu.core_type<tc>, window_params = [{transform_indices = @transform_0, window_bounds = array<i64: 1, 4096, 128>}, {transform_indices = @transform_1, window_bounds = array<i64: 1, 4096, 128>}, {pipeline_mode = #tpu.pipeline_mode<synchronous>, transform_indices = @transform_2, window_bounds = array<i64: 4096, 1>}, {pipeline_mode = #tpu.pipeline_mode<synchronous>, transform_indices = @transform_3, window_bounds = array<i64: 4096, 1>}, {pipeline_mode = #tpu.pipeline_mode<synchronous>, transform_indices = @transform_4, window_bounds = array<i64: 128, 256>}, {pipeline_mode = #tpu.pipeline_mode<synchronous>, transform_indices = @transform_5, window_bounds = array<i64: 1, 128>}, {pipeline_mode = #tpu.pipeline_mode<synchronous>, transform_indices = @transform_6, window_bounds = array<i64: 1, 128>}, {pipeline_mode = #tpu.pipeline_mode<synchronous>, transform_indices = @transform_7, window_bounds = array<i64: 1, 1>}, {pipeline_mode = #tpu.pipeline_mode<synchronous>, transform_indices = @transform_8, window_bounds = array<i64: 64, 1>}]} {
    %broadcast_in_dim3A = arith.constant 1.000000e+00 : f32
    %broadcast_in_dim3A_0 = vector.broadcast %broadcast_in_dim3A : f32 to vector<4096x128xf32>
    %get3A = arith.constant 0 : index
    %get3A_1 = arith.constant 0 : index
    %get3A_2 = vector.load %arg3[%get3A, %get3A_1] : memref<4096x1xi32, #tpu.memory_space<vmem>>, vector<4096x1xi32>
    %iota3A = tpu.iota {dimensions = array<i32: 1>} : vector<4096x64xi32>
    %eq3A = vector.broadcast %get3A_2 : vector<4096x1xi32> to vector<4096x64xi32>
    %eq3A_3 = arith.cmpi eq, %eq3A, %iota3A : vector<4096x64xi32>
    %convert_element_type3A = arith.extui %eq3A_3 : vector<4096x64xi1> to vector<4096x64xi32>
    %convert_element_type3A_4 = arith.sitofp %convert_element_type3A : vector<4096x64xi32> to vector<4096x64xf32>
    %get3A_5 = arith.constant 0 : index
    %get3A_6 = arith.constant 0 : index
    %get3A_7 = arith.constant 0 : index
    %get3A_8 = vector.load %arg1[%get3A_5, %get3A_6, %get3A_7] : memref<1x4096x128xf32, #tpu.memory_space<vmem>>, vector<1x4096x128xf32>
    %get3A_9 = vector.shape_cast %get3A_8 : vector<1x4096x128xf32> to vector<4096x128xf32>
    %dot_general3A = arith.constant dense<0.000000e+00> : vector<64x128xf32>
    %dot_general3A_10 = tpu.matmul %convert_element_type3A_4, %get3A_9, %dot_general3A {dimension_numbers = #tpu.dot_dimension_numbers<[0], [0], [1], [1], [0, 1, 1, 1], [], []>, transpose_lhs_hint = false} : vector<4096x64xf32>, vector<4096x128xf32>, vector<64x128xf32> -> vector<64x128xf32>
    %dot_general3A_11 = arith.constant dense<0.000000e+00> : vector<64x128xf32>
    %dot_general3A_12 = tpu.matmul %convert_element_type3A_4, %broadcast_in_dim3A_0, %dot_general3A_11 {dimension_numbers = #tpu.dot_dimension_numbers<[0], [0], [1], [1], [0, 1, 1, 1], [], []>, transpose_lhs_hint = false} : vector<4096x64xf32>, vector<4096x128xf32>, vector<64x128xf32> -> vector<64x128xf32>
    %max3A = arith.constant 1.000000e+00 : f32
    %max3A_13 = vector.broadcast %max3A : f32 to vector<64x128xf32>
    %max3A_14 = arith.maximumf %dot_general3A_12, %max3A_13 : vector<64x128xf32>
    %div3A = arith.divf %dot_general3A_10, %max3A_14 : vector<64x128xf32>
    %get3A_15 = arith.constant 0 : index
    %get3A_16 = arith.constant 0 : index
    %get3A_17 = vector.load %arg4[%get3A_15, %get3A_16] : memref<4096x1xi32, #tpu.memory_space<vmem>>, vector<4096x1xi32>
    %iota3A_18 = tpu.iota {dimensions = array<i32: 1>} : vector<4096x64xi32>
    %eq3A_19 = vector.broadcast %get3A_17 : vector<4096x1xi32> to vector<4096x64xi32>
    %eq3A_20 = arith.cmpi eq, %eq3A_19, %iota3A_18 : vector<4096x64xi32>
    %convert_element_type3A_21 = arith.extui %eq3A_20 : vector<4096x64xi1> to vector<4096x64xi32>
    %convert_element_type3A_22 = arith.sitofp %convert_element_type3A_21 : vector<4096x64xi32> to vector<4096x64xf32>
    %get3A_23 = arith.constant 0 : index
    %get3A_24 = arith.constant 0 : index
    %get3A_25 = arith.constant 0 : index
    %get3A_26 = vector.load %arg2[%get3A_23, %get3A_24, %get3A_25] : memref<1x4096x128xf32, #tpu.memory_space<vmem>>, vector<1x4096x128xf32>
    %get3A_27 = vector.shape_cast %get3A_26 : vector<1x4096x128xf32> to vector<4096x128xf32>
    %dot_general3A_28 = arith.constant dense<0.000000e+00> : vector<64x128xf32>
    %dot_general3A_29 = tpu.matmul %convert_element_type3A_22, %get3A_27, %dot_general3A_28 {dimension_numbers = #tpu.dot_dimension_numbers<[0], [0], [1], [1], [0, 1, 1, 1], [], []>, transpose_lhs_hint = false} : vector<4096x64xf32>, vector<4096x128xf32>, vector<64x128xf32> -> vector<64x128xf32>
    %dot_general3A_30 = arith.constant dense<0.000000e+00> : vector<64x128xf32>
    %dot_general3A_31 = tpu.matmul %convert_element_type3A_22, %broadcast_in_dim3A_0, %dot_general3A_30 {dimension_numbers = #tpu.dot_dimension_numbers<[0], [0], [1], [1], [0, 1, 1, 1], [], []>, transpose_lhs_hint = false} : vector<4096x64xf32>, vector<4096x128xf32>, vector<64x128xf32> -> vector<64x128xf32>
    %max3A_32 = arith.constant 1.000000e+00 : f32
    %max3A_33 = vector.broadcast %max3A_32 : f32 to vector<64x128xf32>
    %max3A_34 = arith.maximumf %dot_general3A_31, %max3A_33 : vector<64x128xf32>
    %div3A_35 = arith.divf %dot_general3A_29, %max3A_34 : vector<64x128xf32>
    %concatenate3A = tpu.concatenate %div3A, %div3A_35 in 1 : vector<64x128xf32>, vector<64x128xf32> -> vector<64x256xf32>
    %get3A_36 = arith.constant 0 : index
    %get3A_37 = arith.constant 0 : index
    %get3A_38 = vector.load %arg5[%get3A_36, %get3A_37] : memref<128x256xf32, #tpu.memory_space<vmem>>, vector<128x256xf32>
    %dot_general3A_39 = arith.constant dense<0.000000e+00> : vector<64x128xf32>
    %dot_general3A_40 = tpu.matmul %concatenate3A, %get3A_38, %dot_general3A_39 {dimension_numbers = #tpu.dot_dimension_numbers<[1], [1], [0], [0], [0, 0, 1, 0], [], []>, transpose_lhs_hint = false} : vector<64x256xf32>, vector<128x256xf32>, vector<64x128xf32> -> vector<64x128xf32>
    %get3A_41 = arith.constant 0 : index
    %get3A_42 = arith.constant 0 : index
    %get3A_43 = vector.load %arg6[%get3A_41, %get3A_42] : memref<1x128xf32, #tpu.memory_space<vmem>>, vector<1x128xf32>
    %add3A = vector.broadcast %get3A_43 : vector<1x128xf32> to vector<64x128xf32>
    %add3A_44 = arith.addf %dot_general3A_40, %add3A : vector<64x128xf32>
    %max3A_45 = arith.constant 0.000000e+00 : f32
    %max3A_46 = vector.broadcast %max3A_45 : f32 to vector<64x128xf32>
    %max3A_47 = arith.maximumf %add3A_44, %max3A_46 : vector<64x128xf32>
    %get3A_48 = arith.constant 0 : index
    %get3A_49 = arith.constant 0 : index
    %get3A_50 = vector.load %arg7[%get3A_48, %get3A_49] : memref<1x128xf32, #tpu.memory_space<vmem>>, vector<1x128xf32>
    %mul3A = vector.broadcast %get3A_50 : vector<1x128xf32> to vector<64x128xf32>
    %mul3A_51 = arith.mulf %max3A_47, %mul3A : vector<64x128xf32>
    %reduce_sum3A = arith.constant dense<0.000000e+00> : vector<64xf32>
    %reduce_sum3A_52 = vector.multi_reduction <add>, %mul3A_51, %reduce_sum3A [1] : vector<64x128xf32> to vector<64xf32>
    %broadcast_in_dim3A_53 = vector.shape_cast %reduce_sum3A_52 : vector<64xf32> to vector<64x1xf32>
    %get3A_54 = arith.constant 0 : index
    %get3A_55 = arith.constant 0 : index
    %get3A_56 = vector.load %arg8[%get3A_54, %get3A_55] : memref<1x1xf32, #tpu.memory_space<vmem>>, vector<1x1xf32>
    %get3A_57 = vector.extract %get3A_56[0, 0] : f32 from vector<1x1xf32>
    %add3A_58 = vector.broadcast %get3A_57 : f32 to vector<64x1xf32>
    %add3A_59 = arith.addf %broadcast_in_dim3A_53, %add3A_58 : vector<64x1xf32>
    %neg3A = arith.constant 0.000000e+00 : f32
    %neg3A_60 = vector.broadcast %neg3A : f32 to vector<64x1xf32>
    %neg3A_61 = arith.subf %neg3A_60, %add3A_59 : vector<64x1xf32>
    %exp3A = math.exp %neg3A_61 : vector<64x1xf32>
    %add3A_62 = arith.constant 1.000000e+00 : f32
    %add3A_63 = vector.broadcast %add3A_62 : f32 to vector<64x1xf32>
    %add3A_64 = arith.addf %add3A_63, %exp3A : vector<64x1xf32>
    %div3A_65 = arith.constant 1.000000e+00 : f32
    %div3A_66 = vector.broadcast %div3A_65 : f32 to vector<64x1xf32>
    %div3A_67 = arith.divf %div3A_66, %add3A_64 : vector<64x1xf32>
    %swap3A = arith.constant 0 : index
    %swap3A_68 = arith.constant 0 : index
    %swap3A_69 = vector.load %arg9[%swap3A, %swap3A_68] : memref<64x1xf32, #tpu.memory_space<vmem>>, vector<64x1xf32>
    tpu.vector_store %arg9[%swap3A, %swap3A_68], %div3A_67 {strides = array<i32>} : memref<64x1xf32, #tpu.memory_space<vmem>>, vector<64x1xf32>,
    return
  }
  func.func @transform_0(%arg0: i32) -> (i32, i32, i32) {
    %c0_i32 = arith.constant 0 : i32
    %c0_i32_0 = arith.constant 0 : i32
    %c0_i32_1 = arith.constant 0 : i32
    %c0_i32_2 = arith.constant 0 : i32
    return %c0_i32, %c0_i32_0, %c0_i32_1 : i32, i32, i32
  }
  func.func @transform_1(%arg0: i32) -> (i32, i32, i32) {
    %c1_i32 = arith.constant 1 : i32
    %c0_i32 = arith.constant 0 : i32
    %c0_i32_0 = arith.constant 0 : i32
    %c0_i32_1 = arith.constant 0 : i32
    return %c1_i32, %c0_i32, %c0_i32_0 : i32, i32, i32
  }
  func.func @transform_2(%arg0: i32) -> (i32, i32) {
    %c0_i32 = arith.constant 0 : i32
    %c0_i32_0 = arith.constant 0 : i32
    %c0_i32_1 = arith.constant 0 : i32
    return %c0_i32, %c0_i32_0 : i32, i32
  }
  func.func @transform_3(%arg0: i32) -> (i32, i32) {
    %c0_i32 = arith.constant 0 : i32
    %c0_i32_0 = arith.constant 0 : i32
    %c0_i32_1 = arith.constant 0 : i32
    return %c0_i32, %c0_i32_0 : i32, i32
  }
  func.func @transform_4(%arg0: i32) -> (i32, i32) {
    %c0_i32 = arith.constant 0 : i32
    %c0_i32_0 = arith.constant 0 : i32
    %c0_i32_1 = arith.constant 0 : i32
    return %c0_i32, %c0_i32_0 : i32, i32
  }
  func.func @transform_5(%arg0: i32) -> (i32, i32) {
    %c0_i32 = arith.constant 0 : i32
    %c0_i32_0 = arith.constant 0 : i32
    %c0_i32_1 = arith.constant 0 : i32
    return %c0_i32, %c0_i32_0 : i32, i32
  }
  func.func @transform_6(%arg0: i32) -> (i32, i32) {
    %c0_i32 = arith.constant 0 : i32
    %c0_i32_0 = arith.constant 0 : i32
    %c0_i32_1 = arith.constant 0 : i32
    return %c0_i32, %c0_i32_0 : i32, i32
  }
  func.func @transform_7(%arg0: i32) -> (i32, i32) {
    %c0_i32 = arith.constant 0 : i32
    %c0_i32_0 = arith.constant 0 : i32
    %c0_i32_1 = arith.constant 0 : i32
    return %c0_i32, %c0_i32_0 : i32, i32
  }
  func.func @transform_8(%arg0: i32) -> (i32, i32) {
    %c0_i32 = arith.constant 0 : i32
    %c0_i32_0 = arith.constant 0 : i32
    %c0_i32_1 = arith.constant 0 : i32
    return %c0_i32, %c0_i32_0 : i32, i32
  }
}

</mosaic_0001>

<sc_bundles>
// kernel: kernel.11.cloned.1.call-start
scs
__scs_entry_jumppad:
0x0: {  	(pc) =	sbr.rel $0x88, $3  }
0x1: {  	(tag) =	ssettag $0x0;
	lr =	simm.s32 $0x1  }
0x2: {  	[smem:$0x3F7F] =	sst lr;
	_ =	strace $0xD0000000  }
0x3: {  	_ = 	snop  }
0x4: {  	_ = 	snop  }
0x5: {  	_ = 	snop  }
0x6: {  	_ = 	snop  }
0x7: {  	_ = 	snop  }
__scs_overlays_trampoline_lowered:
0x8: {  	[smem:$0x3F8E] =	sst s0  }
0x9: {  	[smem:$0x3F8F] =	sst s1  }
0xa: {  	[smem:$0x3F90] =	sst s2  }
0xb: {  	[smem:$0x3F91] =	sst s3  }
0xc: {  	[smem:$0x3F92] =	sst s4  }
0xd: {  	[smem:$0x3F93] =	sst s5  }
0xe: {  	[smem:$0x3F94] =	sst s6  }
0xf: {  	[smem:$0x3F95] =	sst s7  }
0x10: {  	[smem:$0x3F96] =	sst s8  }
0x11: {  	[smem:$0x3F97] =	sst s9;
	s0 =	simm.s32 @!p0 $0x0  }
0x12: {  	s1 =	sld [smem:$0x3F7D];
	s0 =	simm.s32 @p0 $0x1  }
0x13: {  	[smem:$0x3F98] =	sst s0;
	s0 =	simm.s32 @!p1 $0x0  }
0x14: {  	s2 =	sld [smem:$0x3F7C];
	s0 =	simm.s32 @p1 $0x1  }
0x15: {  	[smem:$0x3F99] =	sst s0;
	s0 =	simm.s32 @!p2 $0x0  }
0x16: {  	s3 =	sld [smem:$0x3FDB];
	s0 =	simm.s32 @p2 $0x1  }
0x17: {  	s4 =	simm.s32 $0x1BF5;
	[smem:$0x3F9B] =	sst s0  }
0x18: {  	s0 =	sld [smem:$0x3F7E];
	_ =	swait.ge [sflag:s4], $0x0  }
0x19: {  	s7 =	sld [smem:$0x3F7F]  }
0x1a: {  	s8 =	sadd.s32 $0xFFFFE003, lr  }
0x1b: {  	s9 =	sadd.s32 $0xFFFFFEF7, lr;
	s5 =	simm.s32 $0xFFFFFFFF;
	p2 =	slt.u32 s8, $0xFFFFF086  }
0x1c: {  	p1 =	slt.u32 s9, $0xF7A;
	s5 =	simm.s32 @!p2 $0x0  }
0x1d: {  	s5 =	simm.s32 @p1 $0x1;
	p0 =	seq.s32 s7, s2  }
0x1e: {  	s7 =	smul.u32 @!p0 $0xF7A, s2;
	p2 =	seq.s32 @!p0 s5, $0x0  }
0x1f: {  	s9 =	smul.u32 $0xF7A, s1;
	s8 =	simm.s32 @!p0 $0x1BF5;
	p2 =	por !p2, p0  }
0x20: {  	[sflag:s8] =	ssyncset.s32 @!p0 $0xFFFFF086;
	s6 =	sadd.s32 @!p0 s3, s7;
	s7 =	simm.s32 @!p0 $0x108  }
0x21: {  	s3 =	sadd.s32 s3, s9;
	s6 =	sadd.s32 @!p0 $0x88, s6;
	s7 =	simm.s32 @p2 $0x1082  }
0x22: {  	[simem:s7], [sflag:s8] =	dma.local @!p0 [hbm:s6], $0xF7A  }
0x23: {  	s9 =	sor.u32 $0xD0000000, s2;
	s6 =	simm.s32 $0x108;
	_ =	swait.ge @!p0 [sflag:s8], $0x0  }
0x24: {  	s3 =	sadd.s32 $0x88, s3;
	s6 =	simm.s32 @!p1 $0x1082;
	[sflag:s4] =	ssyncset.s32 $0xFFFFF086  }
0x25: {  	[simem:s6], [sflag:s4] =	dma.local [hbm:s3], $0xF7A  }
0x26: {  	[smem:$0x3F7F] =	sst s1;
	(tag) =	ssettag s2;
	_ =	strace s9  }
0x27: {  	s1 =	sld [smem:$0x3F8F]  }
0x28: {  	s2 =	sld [smem:$0x3F90]  }
0x29: {  	s4 =	sld [smem:$0x3F92]  }
0x2a: {  	p0 =	seq.s32 s5, $0x0;
	s5 =	sld [smem:$0x3F93]  }
0x2b: {  	s6 =	sld [smem:$0x3F94]  }
0x2c: {  	s7 =	sld [smem:$0x3F95]  }
0x2d: {  	s3 =	simm.s32 $0x108;
	s8 =	sld [smem:$0x3F96]  }
0x2e: {  	s3 =	simm.s32 @!p0 $0x1082;
	s9 =	sld [smem:$0x3F97]  }
0x2f: {  	lr =	sadd.s32 s0, s3;
	s0 =	sld [smem:$0x3F8E]  }
0x30: {  	s3 =	sld [smem:$0x3F91]  }
0x31: {  	[smem:$0x3F9A] =	sst s10  }
0x32: {  	s10 =	sld [smem:$0x3F98];
	_ =	sdelay $0x3  }
0x33: {  	p0 =	seq.s32 s10, $0x1;
	s10 =	sld [smem:$0x3F9A];
	_ =	sdelay $0x3  }
0x34: {  	[smem:$0x3F9A] =	sst s10  }
0x35: {  	s10 =	sld [smem:$0x3F99];
	_ =	sdelay $0x3  }
0x36: {  	p1 =	seq.s32 s10, $0x1;
	s10 =	sld [smem:$0x3F9A];
	_ =	sdelay $0x3  }
0x37: {  	[smem:$0x3F9A] =	sst s10  }
0x38: {  	s10 =	sld [smem:$0x3F9B]  }
0x39: {  	_ = 	snop;
	(pc) =	sbr.ind lr, $3  }
0x3a: {  	_ = 	snop  }
0x3b: {  	_ = 	snop  }
0x3c: {  	p2 =	seq.s32 s10, $0x1;
	s10 =	sld [smem:$0x3F9A]  }
0x3d: {  	_ =	shalt  }
0x3e: {  	_ =	shalt  }
0x3f: {  	_ =	shalt  }
0x40: {  	_ =	shalt  }
0x41: {  	_ =	shalt  }
0x42: {  	_ =	shalt  }
0x43: {  	_ =	shalt  }
0x44: {  	_ =	shalt  }
0x45: {  	_ =	shalt  }
0x46: {  	_ =	shalt  }
0x47: {  	_ =	shalt  }
0x48: {  	_ =	shalt  }
0x49: {  	_ =	shalt  }
0x4a: {  	_ =	shalt  }
0x4b: {  	_ =	shalt  }
0x4c: {  	_ =	shalt  }
0x4d: {  	_ =	shalt  }
0x4e: {  	_ =	shalt  }
0x4f: {  	_ =	shalt  }
0x50: {  	_ =	shalt  }
0x51: {  	_ =	shalt  }
0x52: {  	_ =	shalt  }
0x53: {  	_ =	shalt  }
0x54: {  	_ =	shalt  }
0x55: {  	_ =	shalt  }
0x56: {  	_ =	shalt  }
0x57: {  	_ =	shalt  }
0x58: {  	_ =	shalt  }
0x59: {  	_ =	shalt  }
0x5a: {  	_ =	shalt  }
0x5b: {  	_ =	shalt  }
0x5c: {  	_ =	shalt  }
0x5d: {  	_ =	shalt  }
0x5e: {  	_ =	shalt  }
0x5f: {  	_ =	shalt  }
0x60: {  	_ =	shalt  }
0x61: {  	_ =	shalt  }
0x62: {  	_ =	shalt  }
0x63: {  	_ =	shalt  }
0x64: {  	_ =	shalt  }
0x65: {  	_ =	shalt  }
0x66: {  	_ =	shalt  }
0x67: {  	_ =	shalt  }
0x68: {  	_ =	shalt  }
0x69: {  	_ =	shalt  }
0x6a: {  	_ =	shalt  }
0x6b: {  	_ =	shalt  }
0x6c: {  	_ =	shalt  }
0x6d: {  	_ =	shalt  }
0x6e: {  	_ =	shalt  }
0x6f: {  	_ =	shalt  }
0x70: {  	_ =	shalt  }
0x71: {  	_ =	shalt  }
0x72: {  	_ =	shalt  }
0x73: {  	_ =	shalt  }
0x74: {  	_ =	shalt  }
0x75: {  	_ =	shalt  }
0x76: {  	_ =	shalt  }
0x77: {  	_ =	shalt  }
0x78: {  	_ =	shalt  }
0x79: {  	_ =	shalt  }
0x7a: {  	_ =	shalt  }
0x7b: {  	_ =	shalt  }
0x7c: {  	_ =	shalt  }
0x7d: {  	_ =	shalt  }
0x7e: {  	_ =	shalt  }
0x7f: {  	_ =	shalt  }
0x80: {  	_ =	shalt  }
0x81: {  	_ =	shalt  }
0x82: {  	_ =	shalt  }
0x83: {  	_ =	shalt  }
0x84: {  	_ =	shalt  }
0x85: {  	_ =	shalt  }
0x86: {  	_ =	shalt  }
0x87: {  	_ =	shalt  }
.Lfunc_end0:
.L_simem_size_0:
called_computation.1_lowered:
.L_overlay_start_0:
0x88: {  	s2 =	sld [smem:$0x3FD9]  }
0x89: {  	s3 =	sld [smem:$0x3FFE];
	_ =	sdelay $0x1  }
0x8a: {  	s1 =	srdreg.scid  }
0x8b: {  	s0 =	sand.u32 $0x1, s1  }
0x8c: {  	s16 =	sshll.u32 s0, $0xA;
	s2 =	sadd.s32 s3, s2  }
0x8d: {  	s2 =	sadd.s32 s2, s16  }
0x8e: {  	[smem:$0x3FA6] =	sst s2  }
0x8f: {  	_ = 	snop  }
0x90: {  	(tm) =	ssettm $0x1  }
0x91: {  	s17 =	sld [smem:$0x3FFB];
	_ =	sdelay $0x3  }
0x92: {  	_ =	strace s17  }
0x93: {  	s2 =	sld [smem:$0x3FFC];
	_ =	sdelay $0x3  }
0x94: {  	_ =	strace s2  }
0x95: {  	s2 =	sld [smem:$0x3FFD];
	_ =	sdelay $0x3  }
0x96: {  	_ =	strace s2  }
0x97: {  	_ =	strace $0x8FFFFFFF  }
0x98: {  	s18 =	sld [smem:$0x3FDB];
	_ =	sdelay $0x1  }
0x99: {  	s19 =	simm.s32 $_scs_section_size  }
0x9a: {  	s4 =	simm.s32 $_size__tile_overlayer_lowered;
	s5 =	simm.s32 $_tile_overlayer_lowered  }
0x9b: {  	s22 =	simm.s32 $0x1BFF;
	s21 =	sshll.u32 s5, $0x1;
	s2 =	sadd.s32 s19, s18  }
0x9c: {  	s6 =	simm.s32 $0x0;
	s20 =	sshll.u32 s4, $0x1;
	s4 =	sadd.s32 s21, s2  }
0x9d: {  	[timem:s6], [sflag:s22] =	dma.local [hbm:s4], s20  }
0x9e: {  	_ =	swait.ge [sflag:s22], s20  }
0x9f: {  	s3 =	ssub.s32 $0x0, s20;
	[sflag:s22] =	ssyncset.done $0x0  }
0xa0: {  	[sflag:s22] =	ssyncadd.s32 s3;
	_ =	sdelay $0x1  }
0xa1: {  	s23 =	simm.s32 $0x1B8B  }
0xa2: {  	_ =	swait.ge [sflag:s23], $0x1  }
0xa3: {  	[sflag:s23] =	ssyncset.done $0x0  }
0xa4: {  	s25 =	simm.s32 $0x1B8E;
	s24 =	sld [smem:$0x3FFE];
	[sflag:s23] =	ssyncadd.s32 $0xFFFFFFFF  }
0xa5: {  	s26 =	simm.s32 $execute0_lowered;
	[smem:$0x3FD2] =	sst s25  }
0xa6: {  	s4 =	sshll.u32 s26, $0x1;
	_ =	strace $0x80000049;
	[dreg:$0x1] =	wrdreg $0xFFFFFFFF  }
0xa7: {  	s28 =	simm.s32 $_size_execute0_lowered;
	s2 =	sadd.s32 s2, s4;
	[dreg:$0x0] =	wrdreg $0x0  }
0xa8: {  	s4 =	sshll.u32 s28, $0x1;
	[dreg:$0x2] =	wrdreg s2  }
0xa9: {  	[dreg:$0x3] =	wrdreg s4  }
0xaa: {  	[dreg:$0x4] =	wrdreg $0xC0  }
0xab: {  	_ =	task [dreg:s6], $0x5FFFF  }
0xac: {  	[dreg:$0x1] =	wrdreg $0xFFFFFFFF  }
0xad: {  	[dreg:$0x0] =	wrdreg $0x60  }
0xae: {  	[dreg:$0x2] =	wrdreg s24  }
0xaf: {  	[dreg:$0x3] =	wrdreg $0xE0000  }
0xb0: {  	[dreg:$0x4] =	wrdreg $0x9  }
0xb1: {  	_ =	task.clear_ibuf [dreg:s6], $0x5FFFF;
	_ =	strace $0x90000049  }
0xb2: {  	s29 =	simm.s32 $0x9;
	_ =	strace $0x8000004B  }
0xb3: {  	_ =	swait.ge [sflag:s29], $0x1  }
0xb4: {  	[sflag:s29] =	ssyncadd.s32 $0xFFFFFFFF  }
0xb5: {  	_ =	strace $0x9000004B  }
0xb6: {  	_ =	sfence  }
0xb7: {  	s30 =	sld [smem:$0x0];
	_ =	sdelay $0x2  }
0xb8: {  	s31 =	sshll.u32 s1, $0xD;
	s1 =	sshrl.u32 s1, $0x2  }
0xb9: {  	s3 =	sand.u32 $0x4000, s31;
	s1 =	sadd.s32 s1, s30  }
0xba: {  	s0 =	sor.u32 s3, s0;
	s1 =	sshll.u32 s1, $0x11  }
0xbb: {  	s0 =	sor.u32 s1, s0  }
0xbc: {  	s0 =	sadd.s32 $0x8F2B, s0  }
0xbd: {  	[sflag:s0] =	ssyncadd.remote.s32 $0x1  }
0xbe: {  	_ =	sfence.sel $0xFFFF  }
0xbf: {  	[dreg:$0x0] =	wrdreg $0xFFFFFFFF;
	(pc) =	sbr.abs _section_cstart, $3  }
0xc0: {  	[dreg:$0x1] =	wrdreg $0xFFFFFFFF  }
0xc1: {  	_ =	task.clear_ibuf [dreg:s6], $0x2FFFF;
	_ =	strace $0x9FFFFFFF  }
0xc2: {  	(tm) =	ssettm $0x7FFFFFFF  }
0xc3: {  	_ =	shalt  }
tec
execute0_lowered:
.L_overlay_start_1:
0x0: {  	(tag) =	ssettag $0x1  }
0x1: {  	s0 =	rddreg [dreg:$0x0]  }
0x2: {  	s2 =	rddreg [dreg:$0x1];
	s1 =	srdreg.scid  }
0x3: {  	s3 =	simm.s32 $0x0;
	s12 =	stileid.u32;
	s13 =	simm.s32 $0x1000  }
0x4: {  	s14 =	simm.s32 $0x80;
	s15 =	simm.s32 $0x2000;
	s16 =	simm.s32 $0x6000  }
0x5: {  	s17 =	simm.s32 $0x1;
	s19 =	simm.s32 $0xA000;
	s20 =	simm.s32 $0x2  }
0x6: {  	s22 =	simm.s32 $0x4;
	s23 =	simm.s32 $0x180;
	s24 =	simm.s32 $0x3  }
0x7: {  	s28 =	simm.s32 $0x200;
	s29 =	simm.s32 $0x6;
	s30 =	simm.s32 $0x1F00  }
0x8: {  	s31 =	simm.s32 $0x1F80;
	s1 =	sand.u32 $0x1, s1;
	[smem:$0x7FF] =	sst s3  }
0x9: {  	s5 =	sshll.u32 s12, $0xD;
	s9 =	sshll.u32 s12, $0x10;
	s26 =	sshll.u32 s12, $0x6  }
0xa: {  	s12 =	simm.s32 $0x7;
	s4 =	sshll.u32 s1, $0xC;
	_ =	strace $0x8000004A  }
0xb: {  	s7 =	ssub.s32 $0x2, s1;
	s11 =	sadd.s32 s9, s2;
	s1 =	sshll.u32 s1, $0x11  }
0xc: {  	s6 =	sor.u32 s4, s5;
	s4 =	sadd.s32 $0x6000, s0;
	s25 =	sshrl.u32 s7, $0x1  }
0xd: {  	s11 =	sshrl.u32 s11, $0x3;
	s6 =	sshrl.u32 s6, $0x3;
	s10 =	ssub.s32 s7, s25  }
0xe: {  	s25 =	simm.s32 $0x1100;
	s8 =	sadd.s32 s6, s0;
	s0 =	sadd.s32 s5, s0  }
0xf: {  	s6 =	sor.u32 $0x1C07, s26;
	s10 =	smax.u32 s10, $0x1;
	s26 =	simm.s32 $0x5  }
0x10: {  	s5 =	sadd.s32 $0x2E000, s0;
	s7 =	sadd.s32 $0x26000, s8;
	s0 =	sadd.s32 s1, s0  }
0x11: {  	s8 =	sadd.s32 $0x2A000, s8;
	s9 =	sadd.s32 $0x4E000, s0;
	s0 =	simm.s32 $0x0  }
.LBB2_1:
0x12: {  	[spmem:s11], [sflag:s6] =	dma.local [hbm:s5], $0x2000  }
0x13: {  	_ =	swait.ge [sflag:s12], $0x2000  }
0x14: {  	[sflag:s12] =	ssyncset.done $0x0  }
0x15: {  	[sflag:s12] =	ssyncadd.s32 $0xFFFFE000  }
0x16: {  	[tilespmem:s3], [sflag:$0x7] =	stream.linear.gather [hbm4b:s7+s3], $0x1000, $0x38;
	[tilespmem:$0x1E000] =	vst v63  }
0x17: {  	_ =	swait.ge [sflag:s12], $0x1000  }
0x18: {  	[sflag:s12] =	ssyncset.done $0x0  }
0x19: {  	[sflag:s12] =	ssyncadd.s32 $0xFFFFF000  }
0x1a: {  	[tilespmem:s13], [sflag:$0x7] =	stream.linear.gather [hbm4b:s8+s3], $0x1000, $0x38;
	[tilespmem:$0x1E000] =	vst v63  }
0x1b: {  	_ =	swait.ge [sflag:s12], $0x1000  }
0x1c: {  	[sflag:s12] =	ssyncset.done $0x0  }
0x1d: {  	[sflag:s12] =	ssyncadd.s32 $0xFFFFF000  }
0x1e: {  	[bflag:$0x0] =	sbarrier.arrive $0xFFFF  }
0x1f: {  	[tilespmem:s15], [sflag:$0x1] =	stream.indirect.gather [hbm4b:s4+s14], $0x80, s3, s14, $0xb8;
	[tilespmem:$0x1E000] =	vst v63  }
0x20: {  	_ = 	snop  }
0x21: {  	[tilespmem:s16], [sflag:$0x2] =	stream.indirect.gather [hbm4b:s4+s14], $0x80, s14, s14, $0xb8;
	[tilespmem:$0x1E000] =	vst v63  }
0x22: {  	_ =	swait.ge [sflag:s17], $0x4000  }
0x23: {  	[sflag:s17] =	ssyncset.done $0x0  }
0x24: {  	[sflag:s17] =	ssyncadd.s32 $0xFFFFC000  }
0x25: {  	[spmem:s2] =	stream.indirect.scatter.add.f32 [tilespmem:s15], [sflag:$0x4], $0x80, s13, s14, $0xb8;
	[tilespmem:$0x1E000] =	vst v63  }
0x26: {  	s1 =	simm.s32 $0x100  }
0x27: {  	[tilespmem:s19], [sflag:$0x3] =	stream.indirect.gather [hbm4b:s4+s14], $0x80, s1, s14, $0xb8;
	[tilespmem:$0x1E000] =	vst v63  }
0x28: {  	_ =	swait.ge [sflag:s20], $0x4000  }
0x29: {  	[sflag:s20] =	ssyncset.done $0x0  }
0x2a: {  	s18 =	simm.s32 $0x1080;
	[sflag:s20] =	ssyncadd.s32 $0xFFFFC000  }
0x2b: {  	[spmem:s2] =	stream.indirect.scatter.add.f32 [tilespmem:s16], [sflag:$0x5], $0x80, s18, s14, $0xb8;
	[tilespmem:$0x1E000] =	vst v63  }
0x2c: {  	_ =	swait.ge [sflag:s22], $0x4000  }
0x2d: {  	[sflag:s22] =	ssyncset.done $0x0  }
0x2e: {  	[sflag:s22] =	ssyncadd.s32 $0xFFFFC000  }
0x2f: {  	[tilespmem:s15], [sflag:$0x1] =	stream.indirect.gather [hbm4b:s4+s14], $0x80, s23, s14, $0xb8;
	[tilespmem:$0x1E000] =	vst v63  }
0x30: {  	_ =	swait.ge [sflag:s24], $0x4000  }
0x31: {  	[sflag:s24] =	ssyncset.done $0x0  }
0x32: {  	[sflag:s24] =	ssyncadd.s32 $0xFFFFC000  }
0x33: {  	[spmem:s2] =	stream.indirect.scatter.add.f32 [tilespmem:s19], [sflag:$0x6], $0x80, s25, s14, $0xb8;
	[tilespmem:$0x1E000] =	vst v63  }
0x34: {  	_ =	swait.ge [sflag:s26], $0x4000  }
0x35: {  	[sflag:s26] =	ssyncset.done $0x0  }
0x36: {  	[sflag:s26] =	ssyncadd.s32 $0xFFFFC000  }
0x37: {  	[tilespmem:s16], [sflag:$0x2] =	stream.indirect.gather [hbm4b:s4+s14], $0x80, s28, s14, $0xb8;
	[tilespmem:$0x1E000] =	vst v63  }
0x38: {  	_ =	swait.ge [sflag:s17], $0x4000  }
0x39: {  	[sflag:s17] =	ssyncset.done $0x0  }
0x3a: {  	s21 =	simm.s32 $0x1180;
	[sflag:s17] =	ssyncadd.s32 $0xFFFFC000  }
0x3b: {  	[spmem:s2] =	stream.indirect.scatter.add.f32 [tilespmem:s15], [sflag:$0x4], $0x80, s21, s14, $0xb8;
	[tilespmem:$0x1E000] =	vst v63  }
0x3c: {  	_ =	swait.ge [sflag:s29], $0x4000  }
0x3d: {  	[sflag:s29] =	ssyncset.done $0x0  }
0x3e: {  	s18 =	simm.s32 $0x280;
	[sflag:s29] =	ssyncadd.s32 $0xFFFFC000  }
0x3f: {  	[tilespmem:s19], [sflag:$0x3] =	stream.indirect.gather [hbm4b:s4+s14], $0x80, s18, s14, $0xb8;
	[tilespmem:$0x1E000] =	vst v63  }
0x40: {  	_ =	swait.ge [sflag:s20], $0x4000  }
0x41: {  	[sflag:s20] =	ssyncset.done $0x0  }
0x42: {  	s21 =	simm.s32 $0x1200;
	[sflag:s20] =	ssyncadd.s32 $0xFFFFC000  }
0x43: {  	[spmem:s2] =	stream.indirect.scatter.add.f32 [tilespmem:s16], [sflag:$0x5], $0x80, s21, s14, $0xb8;
	[tilespmem:$0x1E000] =	vst v63  }
0x44: {  	_ =	swait.ge [sflag:s22], $0x4000  }
0x45: {  	[sflag:s22] =	ssyncset.done $0x0  }
0x46: {  	s18 =	simm.s32 $0x300;
	[sflag:s22] =	ssyncadd.s32 $0xFFFFC000  }
0x47: {  	[tilespmem:s15], [sflag:$0x1] =	stream.indirect.gather [hbm4b:s4+s14], $0x80, s18, s14, $0xb8;
	[tilespmem:$0x1E000] =	vst v63  }
0x48: {  	_ =	swait.ge [sflag:s24], $0x4000  }
0x49: {  	[sflag:s24] =	ssyncset.done $0x0  }
0x4a: {  	s21 =	simm.s32 $0x1280;
	[sflag:s24] =	ssyncadd.s32 $0xFFFFC000  }
0x4b: {  	[spmem:s2] =	stream.indirect.scatter.add.f32 [tilespmem:s19], [sflag:$0x6], $0x80, s21, s14, $0xb8;
	[tilespmem:$0x1E000] =	vst v63  }
0x4c: {  	_ =	swait.ge [sflag:s26], $0x4000  }
0x4d: {  	[sflag:s26] =	ssyncset.done $0x0  }
0x4e: {  	s1 =	simm.s32 $0x600;
	s18 =	simm.s32 $0x380;
	[sflag:s26] =	ssyncadd.s32 $0xFFFFC000  }
.LBB2_2:
0x4f: {  	[tilespmem:s16], [sflag:$0x2] =	stream.indirect.gather [hbm4b:s4+s14], $0x80, s18, s14, $0xb8;
	[tilespmem:$0x1E000] =	vst v63  }
0x50: {  	s18 =	smov.u32 s1  }
0x51: {  	p0 =	sne.s32 s1, $0x3000;
	s1 =	sadd.s32 $0x600, s1;
	_ =	swait.ge [sflag:s17], $0x4000  }
0x52: {  	s18 =	sshra.s32 s18, $0x2;
	[sflag:s17] =	ssyncset.done $0x0  }
0x53: {  	s21 =	sadd.s32 $0x1180, s18;
	[sflag:s17] =	ssyncadd.s32 $0xFFFFC000  }
0x54: {  	[spmem:s2] =	stream.indirect.scatter.add.f32 [tilespmem:s15], [sflag:$0x4], $0x80, s21, s14, $0xb8;
	[tilespmem:$0x1E000] =	vst v63  }
0x55: {  	_ =	swait.ge [sflag:s29], $0x4000  }
0x56: {  	[sflag:s29] =	ssyncset.done $0x0  }
0x57: {  	s21 =	sadd.s32 $0x280, s18;
	[sflag:s29] =	ssyncadd.s32 $0xFFFFC000  }
0x58: {  	[tilespmem:s19], [sflag:$0x3] =	stream.indirect.gather [hbm4b:s4+s14], $0x80, s21, s14, $0xb8;
	[tilespmem:$0x1E000] =	vst v63  }
0x59: {  	_ =	swait.ge [sflag:s20], $0x4000  }
0x5a: {  	[sflag:s20] =	ssyncset.done $0x0  }
0x5b: {  	s21 =	sadd.s32 $0x1200, s18;
	[sflag:s20] =	ssyncadd.s32 $0xFFFFC000  }
0x5c: {  	[spmem:s2] =	stream.indirect.scatter.add.f32 [tilespmem:s16], [sflag:$0x5], $0x80, s21, s14, $0xb8;
	[tilespmem:$0x1E000] =	vst v63  }
0x5d: {  	_ =	swait.ge [sflag:s22], $0x4000  }
0x5e: {  	[sflag:s22] =	ssyncset.done $0x0  }
0x5f: {  	s21 =	sadd.s32 $0x300, s18;
	[sflag:s22] =	ssyncadd.s32 $0xFFFFC000  }
0x60: {  	[tilespmem:s15], [sflag:$0x1] =	stream.indirect.gather [hbm4b:s4+s14], $0x80, s21, s14, $0xb8;
	[tilespmem:$0x1E000] =	vst v63  }
0x61: {  	_ =	swait.ge [sflag:s24], $0x4000  }
0x62: {  	[sflag:s24] =	ssyncset.done $0x0  }
.Ltmp0:
0x63: {  	s21 =	sadd.s32 $0x1280, s18;
	[sflag:s24] =	ssyncadd.s32 $0xFFFFC000;
	(pc) =	sbr.rel @p0 .LBB2_2-.Ltmp0, $4  }
0x64: {  	[spmem:s2] =	stream.indirect.scatter.add.f32 [tilespmem:s19], [sflag:$0x6], $0x80, s21, s14, $0xb8;
	[tilespmem:$0x1E000] =	vst v63  }
0x65: {  	_ =	swait.ge [sflag:s26], $0x4000  }
0x66: {  	[sflag:s26] =	ssyncset.done $0x0  }
0x67: {  	s18 =	sadd.s32 $0x380, s18;
	[sflag:s26] =	ssyncadd.s32 $0xFFFFC000  }
0x68: {  	[tilespmem:s16], [sflag:$0x2] =	stream.indirect.gather [hbm4b:s4+s14], $0x80, s18, s14, $0xb8;
	[tilespmem:$0x1E000] =	vst v63  }
0x69: {  	_ =	swait.ge [sflag:s17], $0x4000  }
0x6a: {  	[sflag:s17] =	ssyncset.done $0x0  }
0x6b: {  	[sflag:s17] =	ssyncadd.s32 $0xFFFFC000  }
0x6c: {  	[spmem:s2] =	stream.indirect.scatter.add.f32 [tilespmem:s15], [sflag:$0x4], $0x80, s30, s14, $0xb8;
	[tilespmem:$0x1E000] =	vst v63  }
0x6d: {  	_ =	swait.ge [sflag:s20], $0x4000  }
0x6e: {  	[sflag:s20] =	ssyncset.done $0x0  }
0x6f: {  	[sflag:s20] =	ssyncadd.s32 $0xFFFFC000  }
0x70: {  	[spmem:s2] =	stream.indirect.scatter.add.f32 [tilespmem:s16], [sflag:$0x5], $0x80, s31, s14, $0xb8;
	[tilespmem:$0x1E000] =	vst v63  }
0x71: {  	_ =	swait.ge [sflag:s22], $0x4000  }
0x72: {  	[sflag:s22] =	ssyncset.done $0x0  }
0x73: {  	[sflag:s22] =	ssyncadd.s32 $0xFFFFC000  }
0x74: {  	_ =	swait.ge [sflag:s26], $0x4000  }
0x75: {  	[sflag:s26] =	ssyncset.done $0x0  }
0x76: {  	[sflag:s26] =	ssyncadd.s32 $0xFFFFC000  }
0x77: {  	_ =	swait.ge [sflag:s29], $0x4000  }
0x78: {  	s0 =	sadd.s32 $0x1, s0;
	[sflag:s29] =	ssyncset.done $0x0  }
0x79: {  	p0 =	sne.s32 s0, s10;
	[sflag:s29] =	ssyncadd.s32 $0xFFFFC000  }
.Ltmp1:
0x7a: {  	[bflag:$0x0] =	sbarrier.arrive $0xFFFF;
	(pc) =	sbr.rel @p0 .LBB2_1-.Ltmp1, $4  }
0x7b: {  	[hbm:s9], [sflag:s6] =	dma.local [spmem:s11], $0x2000  }
0x7c: {  	_ =	swait.ge [sflag:s12], $0x2000  }
0x7d: {  	[sflag:s12] =	ssyncset.done $0x0  }
0x7e: {  	[sflag:s12] =	ssyncadd.s32 $0xFFFFE000  }
0x7f: {  	_ =	sfence.sel $0x180000  }
0x80: {  	[bflag:$0x0] =	sbarrier.arrive $0xFFFF  }
0x81: {  	_ =	strace $0x9000004A  }
0x82: {  	s0 =	stileid.u32;
	[bflag:$0x2] =	sbarrier.arrive $0xFFFF  }
0x83: {  	p0 =	sne.s32 s0, $0x0;
	s0 =	rddreg [dreg:$0x2]  }
0x84: {  	s0 =	sadd.s32 @!p0 $0x100000, s0  }
0x85: {  	[sflag:s0] =	ssyncadd.tile.s32 @!p0 $0x1;
	_ =	shalt  }
.Lfunc_end2:
_tile_overlayer_lowered:
.L_overlay_start_2:
0x86: {  	(tag) =	ssettag $0x2  }
0x87: {  	s0 =	rddreg [dreg:$0x0];
	s2 =	stileid.u32  }
0x88: {  	s1 =	rddreg [dreg:$0x1];
	p0 =	sne.s32 s2, $0x0  }
0x89: {  	s3 =	rddreg [dreg:$0x2];
	[bflag:$0x3] =	sbarrier.arrive $0xFFFF;
	s2 =	simm.s32 @!p0 $0x1C07  }
0x8a: {  	[timem:s3], [sflag:s2] =	dma.local @!p0 [hbm:s0], s1  }
0x8b: {  	s0 =	simm.s32 @!p0 $0x7  }
0x8c: {  	_ =	swait.ge @!p0 [sflag:s0], s1  }
0x8d: {  	s1 =	ssub.s32 @!p0 $0x0, s1;
	[sflag:s0] =	ssyncset.done @!p0 $0x0  }
0x8e: {  	[sflag:s0] =	ssyncadd.s32 @!p0 s1  }
0x8f: {  	[bflag:$0x3] =	sbarrier.arrive $0xFFFF  }
0x90: {  	_ =	shalt  }

// kernel: kernel.8.cloned.1.call-start
scs
__scs_entry_jumppad:
0x0: {  	(pc) =	sbr.rel $0x88, $3  }
0x1: {  	(tag) =	ssettag $0x0;
	lr =	simm.s32 $0x1  }
0x2: {  	[smem:$0x3F7F] =	sst lr;
	_ =	strace $0xD0000000  }
0x3: {  	_ = 	snop  }
0x4: {  	_ = 	snop  }
0x5: {  	_ = 	snop  }
0x6: {  	_ = 	snop  }
0x7: {  	_ = 	snop  }
__scs_overlays_trampoline_lowered:
0x8: {  	[smem:$0x3F8E] =	sst s0  }
0x9: {  	[smem:$0x3F8F] =	sst s1  }
0xa: {  	[smem:$0x3F90] =	sst s2  }
0xb: {  	[smem:$0x3F91] =	sst s3  }
0xc: {  	[smem:$0x3F92] =	sst s4  }
0xd: {  	[smem:$0x3F93] =	sst s5  }
0xe: {  	[smem:$0x3F94] =	sst s6  }
0xf: {  	[smem:$0x3F95] =	sst s7  }
0x10: {  	[smem:$0x3F96] =	sst s8  }
0x11: {  	[smem:$0x3F97] =	sst s9;
	s0 =	simm.s32 @!p0 $0x0  }
0x12: {  	s1 =	sld [smem:$0x3F7D];
	s0 =	simm.s32 @p0 $0x1  }
0x13: {  	[smem:$0x3F98] =	sst s0;
	s0 =	simm.s32 @!p1 $0x0  }
0x14: {  	s2 =	sld [smem:$0x3F7C];
	s0 =	simm.s32 @p1 $0x1  }
0x15: {  	[smem:$0x3F99] =	sst s0;
	s0 =	simm.s32 @!p2 $0x0  }
0x16: {  	s3 =	sld [smem:$0x3FDB];
	s0 =	simm.s32 @p2 $0x1  }
0x17: {  	s4 =	simm.s32 $0x1BF5;
	[smem:$0x3F9B] =	sst s0  }
0x18: {  	s0 =	sld [smem:$0x3F7E];
	_ =	swait.ge [sflag:s4], $0x0  }
0x19: {  	s7 =	sld [smem:$0x3F7F]  }
0x1a: {  	s8 =	sadd.s32 $0xFFFFE003, lr  }
0x1b: {  	s9 =	sadd.s32 $0xFFFFFEF7, lr;
	s5 =	simm.s32 $0xFFFFFFFF;
	p2 =	slt.u32 s8, $0xFFFFF086  }
0x1c: {  	p1 =	slt.u32 s9, $0xF7A;
	s5 =	simm.s32 @!p2 $0x0  }
0x1d: {  	s5 =	simm.s32 @p1 $0x1;
	p0 =	seq.s32 s7, s2  }
0x1e: {  	s7 =	smul.u32 @!p0 $0xF7A, s2;
	p2 =	seq.s32 @!p0 s5, $0x0  }
0x1f: {  	s9 =	smul.u32 $0xF7A, s1;
	s8 =	simm.s32 @!p0 $0x1BF5;
	p2 =	por !p2, p0  }
0x20: {  	[sflag:s8] =	ssyncset.s32 @!p0 $0xFFFFF086;
	s6 =	sadd.s32 @!p0 s3, s7;
	s7 =	simm.s32 @!p0 $0x108  }
0x21: {  	s3 =	sadd.s32 s3, s9;
	s6 =	sadd.s32 @!p0 $0x88, s6;
	s7 =	simm.s32 @p2 $0x1082  }
0x22: {  	[simem:s7], [sflag:s8] =	dma.local @!p0 [hbm:s6], $0xF7A  }
0x23: {  	s9 =	sor.u32 $0xD0000000, s2;
	s6 =	simm.s32 $0x108;
	_ =	swait.ge @!p0 [sflag:s8], $0x0  }
0x24: {  	s3 =	sadd.s32 $0x88, s3;
	s6 =	simm.s32 @!p1 $0x1082;
	[sflag:s4] =	ssyncset.s32 $0xFFFFF086  }
0x25: {  	[simem:s6], [sflag:s4] =	dma.local [hbm:s3], $0xF7A  }
0x26: {  	[smem:$0x3F7F] =	sst s1;
	(tag) =	ssettag s2;
	_ =	strace s9  }
0x27: {  	s1 =	sld [smem:$0x3F8F]  }
0x28: {  	s2 =	sld [smem:$0x3F90]  }
0x29: {  	s4 =	sld [smem:$0x3F92]  }
0x2a: {  	p0 =	seq.s32 s5, $0x0;
	s5 =	sld [smem:$0x3F93]  }
0x2b: {  	s6 =	sld [smem:$0x3F94]  }
0x2c: {  	s7 =	sld [smem:$0x3F95]  }
0x2d: {  	s3 =	simm.s32 $0x108;
	s8 =	sld [smem:$0x3F96]  }
0x2e: {  	s3 =	simm.s32 @!p0 $0x1082;
	s9 =	sld [smem:$0x3F97]  }
0x2f: {  	lr =	sadd.s32 s0, s3;
	s0 =	sld [smem:$0x3F8E]  }
0x30: {  	s3 =	sld [smem:$0x3F91]  }
0x31: {  	[smem:$0x3F9A] =	sst s10  }
0x32: {  	s10 =	sld [smem:$0x3F98];
	_ =	sdelay $0x3  }
0x33: {  	p0 =	seq.s32 s10, $0x1;
	s10 =	sld [smem:$0x3F9A];
	_ =	sdelay $0x3  }
0x34: {  	[smem:$0x3F9A] =	sst s10  }
0x35: {  	s10 =	sld [smem:$0x3F99];
	_ =	sdelay $0x3  }
0x36: {  	p1 =	seq.s32 s10, $0x1;
	s10 =	sld [smem:$0x3F9A];
	_ =	sdelay $0x3  }
0x37: {  	[smem:$0x3F9A] =	sst s10  }
0x38: {  	s10 =	sld [smem:$0x3F9B]  }
0x39: {  	_ = 	snop;
	(pc) =	sbr.ind lr, $3  }
0x3a: {  	_ = 	snop  }
0x3b: {  	_ = 	snop  }
0x3c: {  	p2 =	seq.s32 s10, $0x1;
	s10 =	sld [smem:$0x3F9A]  }
0x3d: {  	_ =	shalt  }
0x3e: {  	_ =	shalt  }
0x3f: {  	_ =	shalt  }
0x40: {  	_ =	shalt  }
0x41: {  	_ =	shalt  }
0x42: {  	_ =	shalt  }
0x43: {  	_ =	shalt  }
0x44: {  	_ =	shalt  }
0x45: {  	_ =	shalt  }
0x46: {  	_ =	shalt  }
0x47: {  	_ =	shalt  }
0x48: {  	_ =	shalt  }
0x49: {  	_ =	shalt  }
0x4a: {  	_ =	shalt  }
0x4b: {  	_ =	shalt  }
0x4c: {  	_ =	shalt  }
0x4d: {  	_ =	shalt  }
0x4e: {  	_ =	shalt  }
0x4f: {  	_ =	shalt  }
0x50: {  	_ =	shalt  }
0x51: {  	_ =	shalt  }
0x52: {  	_ =	shalt  }
0x53: {  	_ =	shalt  }
0x54: {  	_ =	shalt  }
0x55: {  	_ =	shalt  }
0x56: {  	_ =	shalt  }
0x57: {  	_ =	shalt  }
0x58: {  	_ =	shalt  }
0x59: {  	_ =	shalt  }
0x5a: {  	_ =	shalt  }
0x5b: {  	_ =	shalt  }
0x5c: {  	_ =	shalt  }
0x5d: {  	_ =	shalt  }
0x5e: {  	_ =	shalt  }
0x5f: {  	_ =	shalt  }
0x60: {  	_ =	shalt  }
0x61: {  	_ =	shalt  }
0x62: {  	_ =	shalt  }
0x63: {  	_ =	shalt  }
0x64: {  	_ =	shalt  }
0x65: {  	_ =	shalt  }
0x66: {  	_ =	shalt  }
0x67: {  	_ =	shalt  }
0x68: {  	_ =	shalt  }
0x69: {  	_ =	shalt  }
0x6a: {  	_ =	shalt  }
0x6b: {  	_ =	shalt  }
0x6c: {  	_ =	shalt  }
0x6d: {  	_ =	shalt  }
0x6e: {  	_ =	shalt  }
0x6f: {  	_ =	shalt  }
0x70: {  	_ =	shalt  }
0x71: {  	_ =	shalt  }
0x72: {  	_ =	shalt  }
0x73: {  	_ =	shalt  }
0x74: {  	_ =	shalt  }
0x75: {  	_ =	shalt  }
0x76: {  	_ =	shalt  }
0x77: {  	_ =	shalt  }
0x78: {  	_ =	shalt  }
0x79: {  	_ =	shalt  }
0x7a: {  	_ =	shalt  }
0x7b: {  	_ =	shalt  }
0x7c: {  	_ =	shalt  }
0x7d: {  	_ =	shalt  }
0x7e: {  	_ =	shalt  }
0x7f: {  	_ =	shalt  }
0x80: {  	_ =	shalt  }
0x81: {  	_ =	shalt  }
0x82: {  	_ =	shalt  }
0x83: {  	_ =	shalt  }
0x84: {  	_ =	shalt  }
0x85: {  	_ =	shalt  }
0x86: {  	_ =	shalt  }
0x87: {  	_ =	shalt  }
.Lfunc_end0:
.L_simem_size_0:
called_computation_lowered:
.L_overlay_start_0:
0x88: {  	s2 =	sld [smem:$0x3FD9]  }
0x89: {  	s3 =	sld [smem:$0x3FFE];
	_ =	sdelay $0x1  }
0x8a: {  	s1 =	srdreg.scid  }
0x8b: {  	s0 =	sand.u32 $0x1, s1  }
0x8c: {  	s16 =	sshll.u32 s0, $0xA;
	s2 =	sadd.s32 s3, s2  }
0x8d: {  	s2 =	sadd.s32 s2, s16  }
0x8e: {  	[smem:$0x3FA6] =	sst s2  }
0x8f: {  	_ = 	snop  }
0x90: {  	(tm) =	ssettm $0x1  }
0x91: {  	s17 =	sld [smem:$0x3FFB];
	_ =	sdelay $0x3  }
0x92: {  	_ =	strace s17  }
0x93: {  	s2 =	sld [smem:$0x3FFC];
	_ =	sdelay $0x3  }
0x94: {  	_ =	strace s2  }
0x95: {  	s2 =	sld [smem:$0x3FFD];
	_ =	sdelay $0x3  }
0x96: {  	_ =	strace s2  }
0x97: {  	_ =	strace $0x8FFFFFFF  }
0x98: {  	s18 =	sld [smem:$0x3FDB];
	_ =	sdelay $0x1  }
0x99: {  	s19 =	simm.s32 $_scs_section_size  }
0x9a: {  	s4 =	simm.s32 $_size__tile_overlayer_lowered;
	s5 =	simm.s32 $_tile_overlayer_lowered  }
0x9b: {  	s22 =	simm.s32 $0x1BFF;
	s21 =	sshll.u32 s5, $0x1;
	s2 =	sadd.s32 s19, s18  }
0x9c: {  	s6 =	simm.s32 $0x0;
	s20 =	sshll.u32 s4, $0x1;
	s4 =	sadd.s32 s21, s2  }
0x9d: {  	[timem:s6], [sflag:s22] =	dma.local [hbm:s4], s20  }
0x9e: {  	_ =	swait.ge [sflag:s22], s20  }
0x9f: {  	s3 =	ssub.s32 $0x0, s20;
	[sflag:s22] =	ssyncset.done $0x0  }
0xa0: {  	[sflag:s22] =	ssyncadd.s32 s3;
	_ =	sdelay $0x1  }
0xa1: {  	s23 =	simm.s32 $0x1B8B  }
0xa2: {  	_ =	swait.ge [sflag:s23], $0x1  }
0xa3: {  	[sflag:s23] =	ssyncset.done $0x0  }
0xa4: {  	s25 =	simm.s32 $0x1B8E;
	s24 =	sld [smem:$0x3FFE];
	[sflag:s23] =	ssyncadd.s32 $0xFFFFFFFF  }
0xa5: {  	s26 =	simm.s32 $execute0_lowered;
	[smem:$0x3FD2] =	sst s25  }
0xa6: {  	s4 =	sshll.u32 s26, $0x1;
	_ =	strace $0x80000046;
	[dreg:$0x1] =	wrdreg $0xFFFFFFFF  }
0xa7: {  	s28 =	simm.s32 $_size_execute0_lowered;
	s2 =	sadd.s32 s2, s4;
	[dreg:$0x0] =	wrdreg $0x0  }
0xa8: {  	s4 =	sshll.u32 s28, $0x1;
	[dreg:$0x2] =	wrdreg s2  }
0xa9: {  	[dreg:$0x3] =	wrdreg s4  }
0xaa: {  	[dreg:$0x4] =	wrdreg $0xC0  }
0xab: {  	_ =	task [dreg:s6], $0x5FFFF  }
0xac: {  	[dreg:$0x1] =	wrdreg $0xFFFFFFFF  }
0xad: {  	[dreg:$0x0] =	wrdreg $0x60  }
0xae: {  	[dreg:$0x2] =	wrdreg s24  }
0xaf: {  	[dreg:$0x3] =	wrdreg $0xE0000  }
0xb0: {  	[dreg:$0x4] =	wrdreg $0x9  }
0xb1: {  	_ =	task.clear_ibuf [dreg:s6], $0x5FFFF;
	_ =	strace $0x90000046  }
0xb2: {  	s29 =	simm.s32 $0x9;
	_ =	strace $0x80000048  }
0xb3: {  	_ =	swait.ge [sflag:s29], $0x1  }
0xb4: {  	[sflag:s29] =	ssyncadd.s32 $0xFFFFFFFF  }
0xb5: {  	_ =	strace $0x90000048  }
0xb6: {  	_ =	sfence  }
0xb7: {  	s30 =	sld [smem:$0x0];
	_ =	sdelay $0x2  }
0xb8: {  	s31 =	sshll.u32 s1, $0xD;
	s1 =	sshrl.u32 s1, $0x2  }
0xb9: {  	s3 =	sand.u32 $0x4000, s31;
	s1 =	sadd.s32 s1, s30  }
0xba: {  	s0 =	sor.u32 s3, s0;
	s1 =	sshll.u32 s1, $0x11  }
0xbb: {  	s0 =	sor.u32 s1, s0  }
0xbc: {  	s0 =	sadd.s32 $0x8F2B, s0  }
0xbd: {  	[sflag:s0] =	ssyncadd.remote.s32 $0x1  }
0xbe: {  	_ =	sfence.sel $0xFFFF  }
0xbf: {  	[dreg:$0x0] =	wrdreg $0xFFFFFFFF;
	(pc) =	sbr.abs _section_cstart, $3  }
0xc0: {  	[dreg:$0x1] =	wrdreg $0xFFFFFFFF  }
0xc1: {  	_ =	task.clear_ibuf [dreg:s6], $0x2FFFF;
	_ =	strace $0x9FFFFFFF  }
0xc2: {  	(tm) =	ssettm $0x7FFFFFFF  }
0xc3: {  	_ =	shalt  }
tec
execute0_lowered:
.L_overlay_start_1:
0x0: {  	(tag) =	ssettag $0x1  }
0x1: {  	s0 =	srdreg.scid;
	s1 =	rddreg [dreg:$0x0]  }
0x2: {  	s10 =	stileid.u32;
	s2 =	rddreg [dreg:$0x1]  }
0x3: {  	s3 =	simm.s32 $0x0;
	s14 =	simm.s32 $0x7;
	s15 =	simm.s32 $0x1000  }
0x4: {  	s16 =	simm.s32 $0x2000;
	s17 =	simm.s32 $0x80;
	s18 =	simm.s32 $0x1080  }
0x5: {  	s19 =	simm.s32 $0x4;
	s20 =	simm.s32 $0x5;
	s21 =	simm.s32 $0x6000  }
0x6: {  	s22 =	simm.s32 $0x1;
	s24 =	simm.s32 $0xA000;
	s25 =	simm.s32 $0x2  }
0x7: {  	s28 =	simm.s32 $0x3;
	s31 =	simm.s32 $0x6;
	s23 =	simm.s32 $0x0  }
0x8: {  	s0 =	sand.u32 $0x1, s0;
	s6 =	sshll.u32 s10, $0xD;
	[smem:$0x7FF] =	sst s3  }
0x9: {  	s29 =	sshll.u32 s10, $0x10;
	s30 =	sshll.u32 s10, $0x6;
	s4 =	sshll.u32 s0, $0xC  }
0xa: {  	_ =	strace $0x80000047;
	s7 =	sadd.s32 s6, s1;
	s8 =	sshll.u32 s0, $0x11  }
0xb: {  	s0 =	ssub.s32 $0x2, s0;
	s13 =	sadd.s32 s29, s2;
	s4 =	sor.u32 s4, s6  }
0xc: {  	s6 =	sor.u32 s6, s8;
	s26 =	sshrl.u32 s0, $0x1;
	s13 =	sshrl.u32 s13, $0x3  }
0xd: {  	s5 =	sshrl.u32 s4, $0x3;
	s4 =	sadd.s32 $0x6000, s1;
	s0 =	ssub.s32 s0, s26  }
0xe: {  	s9 =	sadd.s32 s5, s1;
	s5 =	sadd.s32 $0x4E000, s1;
	s1 =	sadd.s32 s6, s1  }
0xf: {  	s6 =	sadd.s32 $0x2E000, s7;
	s7 =	sor.u32 $0x1C07, s30;
	s12 =	smax.u32 s0, $0x1  }
0x10: {  	s0 =	simm.s32 $0x1F80;
	s8 =	sadd.s32 $0x26000, s9;
	s9 =	sadd.s32 $0x2A000, s9  }
0x11: {  	s10 =	sadd.s32 $0x8E800, s1;
	s11 =	sadd.s32 $0x4E800, s1;
	s1 =	simm.s32 $0x1F00  }
.LBB2_1:
0x12: {  	[spmem:s13], [sflag:s7] =	dma.local [hbm:s6], $0x2000  }
0x13: {  	_ =	swait.ge [sflag:s14], $0x2000  }
0x14: {  	[sflag:s14] =	ssyncset.done $0x0  }
0x15: {  	[sflag:s14] =	ssyncadd.s32 $0xFFFFE000  }
0x16: {  	[tilespmem:s3], [sflag:$0x7] =	stream.linear.gather [hbm4b:s8+s3], $0x1000, $0x38;
	[tilespmem:$0x1E000] =	vst v63  }
0x17: {  	_ =	swait.ge [sflag:s14], $0x1000  }
0x18: {  	[sflag:s14] =	ssyncset.done $0x0  }
0x19: {  	[sflag:s14] =	ssyncadd.s32 $0xFFFFF000  }
0x1a: {  	[tilespmem:s15], [sflag:$0x7] =	stream.linear.gather [hbm4b:s9+s3], $0x1000, $0x38;
	[tilespmem:$0x1E000] =	vst v63  }
0x1b: {  	_ =	swait.ge [sflag:s14], $0x1000  }
0x1c: {  	[sflag:s14] =	ssyncset.done $0x0  }
0x1d: {  	[sflag:s14] =	ssyncadd.s32 $0xFFFFF000  }
0x1e: {  	[tilespmem:s16], [sflag:$0x7] =	stream.linear.gather [hbm4b:s5+s3], $0x4000, $0x38;
	[tilespmem:$0x1E000] =	vst v63  }
0x1f: {  	_ =	swait.ge [sflag:s14], $0x4000  }
0x20: {  	[sflag:s14] =	ssyncset.done $0x0  }
0x21: {  	[sflag:s14] =	ssyncadd.s32 $0xFFFFC000  }
0x22: {  	[bflag:$0x0] =	sbarrier.arrive $0xFFFF  }
0x23: {  	[spmem:s2] =	stream.indirect.scatter.add.f32 [tilespmem:s16], [sflag:$0x4], $0x80, s15, s17, $0xb8;
	[tilespmem:$0x1E000] =	vst v63  }
0x24: {  	_ = 	snop  }
0x25: {  	[spmem:s2] =	stream.indirect.scatter.add.f32 [tilespmem:s16], [sflag:$0x5], $0x80, s18, s17, $0xb8;
	[tilespmem:$0x1E000] =	vst v63  }
0x26: {  	_ =	swait.ge [sflag:s19], $0x4000  }
0x27: {  	[sflag:s19] =	ssyncset.done $0x0  }
0x28: {  	s26 =	simm.s32 $0x1100;
	[sflag:s19] =	ssyncadd.s32 $0xFFFFC000  }
0x29: {  	[spmem:s2] =	stream.indirect.scatter.add.f32 [tilespmem:s16], [sflag:$0x4], $0x80, s26, s17, $0xb8;
	[tilespmem:$0x1E000] =	vst v63  }
0x2a: {  	_ =	swait.ge [sflag:s20], $0x4000  }
0x2b: {  	[sflag:s20] =	ssyncset.done $0x0  }
0x2c: {  	s29 =	simm.s32 $0x1180;
	s26 =	simm.s32 $0xFFFFC800;
	[sflag:s20] =	ssyncadd.s32 $0xFFFFC000  }
.LBB2_2:
0x2d: {  	[spmem:s2] =	stream.indirect.scatter.add.f32 [tilespmem:s16], [sflag:$0x5], $0x80, s29, s17, $0xb8;
	[tilespmem:$0x1E000] =	vst v63  }
0x2e: {  	s29 =	smov.u32 s26  }
0x2f: {  	p0 =	sne.s32 s26, $0xFFFFFC00;
	s26 =	sadd.s32 $0x400, s26;
	_ =	swait.ge [sflag:s19], $0x4000  }
0x30: {  	s29 =	sshra.s32 s29, $0x2;
	[sflag:s19] =	ssyncset.done $0x0  }
.Ltmp0:
0x31: {  	s30 =	sadd.s32 $0x2000, s29;
	[sflag:s19] =	ssyncadd.s32 $0xFFFFC000;
	(pc) =	sbr.rel @p0 .LBB2_2-.Ltmp0, $4  }
0x32: {  	[spmem:s2] =	stream.indirect.scatter.add.f32 [tilespmem:s16], [sflag:$0x4], $0x80, s30, s17, $0xb8;
	[tilespmem:$0x1E000] =	vst v63  }
0x33: {  	_ =	swait.ge [sflag:s20], $0x4000  }
0x34: {  	[sflag:s20] =	ssyncset.done $0x0  }
0x35: {  	s29 =	sadd.s32 $0x2080, s29;
	[sflag:s20] =	ssyncadd.s32 $0xFFFFC000  }
0x36: {  	[spmem:s2] =	stream.indirect.scatter.add.f32 [tilespmem:s16], [sflag:$0x5], $0x80, s29, s17, $0xb8;
	[tilespmem:$0x1E000] =	vst v63  }
0x37: {  	_ =	swait.ge [sflag:s19], $0x4000  }
0x38: {  	[sflag:s19] =	ssyncset.done $0x0  }
0x39: {  	[sflag:s19] =	ssyncadd.s32 $0xFFFFC000  }
0x3a: {  	_ =	swait.ge [sflag:s20], $0x4000  }
0x3b: {  	[sflag:s20] =	ssyncset.done $0x0  }
0x3c: {  	[sflag:s20] =	ssyncadd.s32 $0xFFFFC000  }
0x3d: {  	[bflag:$0x0] =	sbarrier.arrive $0xFFFF  }
0x3e: {  	[hbm:s10], [sflag:s7] =	dma.local [spmem:s13], $0x2000  }
0x3f: {  	_ =	swait.ge [sflag:s14], $0x2000  }
0x40: {  	[sflag:s14] =	ssyncset.done $0x0  }
0x41: {  	[sflag:s14] =	ssyncadd.s32 $0xFFFFE000  }
0x42: {  	[spmem:s13], [sflag:s7] =	dma.local [hbm:s6], $0x2000  }
0x43: {  	_ =	swait.ge [sflag:s14], $0x2000  }
0x44: {  	[sflag:s14] =	ssyncset.done $0x0  }
0x45: {  	[sflag:s14] =	ssyncadd.s32 $0xFFFFE000  }
0x46: {  	s26 =	simm.s32 $0x0;
	[bflag:$0x0] =	sbarrier.arrive $0xFFFF  }
0x47: {  	[tilespmem:s16], [sflag:$0x1] =	stream.indirect.gather [hbm4b:s4+s17], $0x80, s26, s17, $0xb8;
	[tilespmem:$0x1E000] =	vst v63  }
0x48: {  	_ = 	snop  }
0x49: {  	[tilespmem:s21], [sflag:$0x2] =	stream.indirect.gather [hbm4b:s4+s17], $0x80, s17, s17, $0xb8;
	[tilespmem:$0x1E000] =	vst v63  }
0x4a: {  	_ =	swait.ge [sflag:s22], $0x4000  }
0x4b: {  	[sflag:s22] =	ssyncset.done $0x0  }
0x4c: {  	[sflag:s22] =	ssyncadd.s32 $0xFFFFC000  }
0x4d: {  	[spmem:s2] =	stream.indirect.scatter.add.f32 [tilespmem:s16], [sflag:$0x4], $0x80, s15, s17, $0xb8;
	[tilespmem:$0x1E000] =	vst v63  }
0x4e: {  	s30 =	simm.s32 $0x100  }
0x4f: {  	[tilespmem:s24], [sflag:$0x3] =	stream.indirect.gather [hbm4b:s4+s17], $0x80, s30, s17, $0xb8;
	[tilespmem:$0x1E000] =	vst v63  }
0x50: {  	_ =	swait.ge [sflag:s25], $0x4000  }
0x51: {  	[sflag:s25] =	ssyncset.done $0x0  }
0x52: {  	[sflag:s25] =	ssyncadd.s32 $0xFFFFC000  }
0x53: {  	[spmem:s2] =	stream.indirect.scatter.add.f32 [tilespmem:s21], [sflag:$0x5], $0x80, s18, s17, $0xb8;
	[tilespmem:$0x1E000] =	vst v63  }
0x54: {  	_ =	swait.ge [sflag:s19], $0x4000  }
0x55: {  	[sflag:s19] =	ssyncset.done $0x0  }
0x56: {  	s30 =	simm.s32 $0x180;
	[sflag:s19] =	ssyncadd.s32 $0xFFFFC000  }
0x57: {  	[tilespmem:s16], [sflag:$0x1] =	stream.indirect.gather [hbm4b:s4+s17], $0x80, s30, s17, $0xb8;
	[tilespmem:$0x1E000] =	vst v63  }
0x58: {  	_ =	swait.ge [sflag:s28], $0x4000  }
0x59: {  	[sflag:s28] =	ssyncset.done $0x0  }
0x5a: {  	s30 =	simm.s32 $0x1100;
	[sflag:s28] =	ssyncadd.s32 $0xFFFFC000  }
0x5b: {  	[spmem:s2] =	stream.indirect.scatter.add.f32 [tilespmem:s24], [sflag:$0x6], $0x80, s30, s17, $0xb8;
	[tilespmem:$0x1E000] =	vst v63  }
0x5c: {  	_ =	swait.ge [sflag:s20], $0x4000  }
0x5d: {  	[sflag:s20] =	ssyncset.done $0x0  }
0x5e: {  	s30 =	simm.s32 $0x200;
	[sflag:s20] =	ssyncadd.s32 $0xFFFFC000  }
0x5f: {  	[tilespmem:s21], [sflag:$0x2] =	stream.indirect.gather [hbm4b:s4+s17], $0x80, s30, s17, $0xb8;
	[tilespmem:$0x1E000] =	vst v63  }
0x60: {  	_ =	swait.ge [sflag:s22], $0x4000  }
0x61: {  	[sflag:s22] =	ssyncset.done $0x0  }
0x62: {  	s30 =	simm.s32 $0x1180;
	[sflag:s22] =	ssyncadd.s32 $0xFFFFC000  }
0x63: {  	[spmem:s2] =	stream.indirect.scatter.add.f32 [tilespmem:s16], [sflag:$0x4], $0x80, s30, s17, $0xb8;
	[tilespmem:$0x1E000] =	vst v63  }
0x64: {  	_ =	swait.ge [sflag:s31], $0x4000  }
0x65: {  	[sflag:s31] =	ssyncset.done $0x0  }
0x66: {  	s30 =	simm.s32 $0x280;
	[sflag:s31] =	ssyncadd.s32 $0xFFFFC000  }
0x67: {  	[tilespmem:s24], [sflag:$0x3] =	stream.indirect.gather [hbm4b:s4+s17], $0x80, s30, s17, $0xb8;
	[tilespmem:$0x1E000] =	vst v63  }
0x68: {  	_ =	swait.ge [sflag:s25], $0x4000  }
0x69: {  	[sflag:s25] =	ssyncset.done $0x0  }
0x6a: {  	s30 =	simm.s32 $0x1200;
	[sflag:s25] =	ssyncadd.s32 $0xFFFFC000  }
0x6b: {  	[spmem:s2] =	stream.indirect.scatter.add.f32 [tilespmem:s21], [sflag:$0x5], $0x80, s30, s17, $0xb8;
	[tilespmem:$0x1E000] =	vst v63  }
0x6c: {  	_ =	swait.ge [sflag:s19], $0x4000  }
0x6d: {  	[sflag:s19] =	ssyncset.done $0x0  }
0x6e: {  	s30 =	simm.s32 $0x300;
	[sflag:s19] =	ssyncadd.s32 $0xFFFFC000  }
0x6f: {  	[tilespmem:s16], [sflag:$0x1] =	stream.indirect.gather [hbm4b:s4+s17], $0x80, s30, s17, $0xb8;
	[tilespmem:$0x1E000] =	vst v63  }
0x70: {  	_ =	swait.ge [sflag:s28], $0x4000  }
0x71: {  	[sflag:s28] =	ssyncset.done $0x0  }
0x72: {  	s30 =	simm.s32 $0x1280;
	[sflag:s28] =	ssyncadd.s32 $0xFFFFC000  }
0x73: {  	[spmem:s2] =	stream.indirect.scatter.add.f32 [tilespmem:s24], [sflag:$0x6], $0x80, s30, s17, $0xb8;
	[tilespmem:$0x1E000] =	vst v63  }
0x74: {  	_ =	swait.ge [sflag:s20], $0x4000  }
0x75: {  	[sflag:s20] =	ssyncset.done $0x0  }
0x76: {  	s29 =	simm.s32 $0x380;
	s26 =	simm.s32 $0x600;
	[sflag:s20] =	ssyncadd.s32 $0xFFFFC000  }
.LBB2_4:
0x77: {  	[tilespmem:s21], [sflag:$0x2] =	stream.indirect.gather [hbm4b:s4+s17], $0x80, s29, s17, $0xb8;
	[tilespmem:$0x1E000] =	vst v63  }
0x78: {  	s29 =	smov.u32 s26  }
0x79: {  	p0 =	sne.s32 s26, $0x3000;
	s26 =	sadd.s32 $0x600, s26;
	_ =	swait.ge [sflag:s22], $0x4000  }
0x7a: {  	s29 =	sshra.s32 s29, $0x2;
	[sflag:s22] =	ssyncset.done $0x0  }
0x7b: {  	s30 =	sadd.s32 $0x1180, s29;
	[sflag:s22] =	ssyncadd.s32 $0xFFFFC000  }
0x7c: {  	[spmem:s2] =	stream.indirect.scatter.add.f32 [tilespmem:s16], [sflag:$0x4], $0x80, s30, s17, $0xb8;
	[tilespmem:$0x1E000] =	vst v63  }
0x7d: {  	_ =	swait.ge [sflag:s31], $0x4000  }
0x7e: {  	[sflag:s31] =	ssyncset.done $0x0  }
0x7f: {  	s30 =	sadd.s32 $0x280, s29;
	[sflag:s31] =	ssyncadd.s32 $0xFFFFC000  }
0x80: {  	[tilespmem:s24], [sflag:$0x3] =	stream.indirect.gather [hbm4b:s4+s17], $0x80, s30, s17, $0xb8;
	[tilespmem:$0x1E000] =	vst v63  }
0x81: {  	_ =	swait.ge [sflag:s25], $0x4000  }
0x82: {  	[sflag:s25] =	ssyncset.done $0x0  }
0x83: {  	s30 =	sadd.s32 $0x1200, s29;
	[sflag:s25] =	ssyncadd.s32 $0xFFFFC000  }
0x84: {  	[spmem:s2] =	stream.indirect.scatter.add.f32 [tilespmem:s21], [sflag:$0x5], $0x80, s30, s17, $0xb8;
	[tilespmem:$0x1E000] =	vst v63  }
0x85: {  	_ =	swait.ge [sflag:s19], $0x4000  }
0x86: {  	[sflag:s19] =	ssyncset.done $0x0  }
0x87: {  	s30 =	sadd.s32 $0x300, s29;
	[sflag:s19] =	ssyncadd.s32 $0xFFFFC000  }
0x88: {  	[tilespmem:s16], [sflag:$0x1] =	stream.indirect.gather [hbm4b:s4+s17], $0x80, s30, s17, $0xb8;
	[tilespmem:$0x1E000] =	vst v63  }
0x89: {  	_ =	swait.ge [sflag:s28], $0x4000  }
0x8a: {  	[sflag:s28] =	ssyncset.done $0x0  }
.Ltmp1:
0x8b: {  	s30 =	sadd.s32 $0x1280, s29;
	[sflag:s28] =	ssyncadd.s32 $0xFFFFC000;
	(pc) =	sbr.rel @p0 .LBB2_4-.Ltmp1, $4  }
0x8c: {  	[spmem:s2] =	stream.indirect.scatter.add.f32 [tilespmem:s24], [sflag:$0x6], $0x80, s30, s17, $0xb8;
	[tilespmem:$0x1E000] =	vst v63  }
0x8d: {  	_ =	swait.ge [sflag:s20], $0x4000  }
0x8e: {  	[sflag:s20] =	ssyncset.done $0x0  }
0x8f: {  	s29 =	sadd.s32 $0x380, s29;
	[sflag:s20] =	ssyncadd.s32 $0xFFFFC000  }
0x90: {  	[tilespmem:s21], [sflag:$0x2] =	stream.indirect.gather [hbm4b:s4+s17], $0x80, s29, s17, $0xb8;
	[tilespmem:$0x1E000] =	vst v63  }
0x91: {  	_ =	swait.ge [sflag:s22], $0x4000  }
0x92: {  	[sflag:s22] =	ssyncset.done $0x0  }
0x93: {  	[sflag:s22] =	ssyncadd.s32 $0xFFFFC000  }
0x94: {  	[spmem:s2] =	stream.indirect.scatter.add.f32 [tilespmem:s16], [sflag:$0x4], $0x80, s1, s17, $0xb8;
	[tilespmem:$0x1E000] =	vst v63  }
0x95: {  	_ =	swait.ge [sflag:s25], $0x4000  }
0x96: {  	[sflag:s25] =	ssyncset.done $0x0  }
0x97: {  	[sflag:s25] =	ssyncadd.s32 $0xFFFFC000  }
0x98: {  	[spmem:s2] =	stream.indirect.scatter.add.f32 [tilespmem:s21], [sflag:$0x5], $0x80, s0, s17, $0xb8;
	[tilespmem:$0x1E000] =	vst v63  }
0x99: {  	_ =	swait.ge [sflag:s19], $0x4000  }
0x9a: {  	[sflag:s19] =	ssyncset.done $0x0  }
0x9b: {  	[sflag:s19] =	ssyncadd.s32 $0xFFFFC000  }
0x9c: {  	_ =	swait.ge [sflag:s20], $0x4000  }
0x9d: {  	[sflag:s20] =	ssyncset.done $0x0  }
0x9e: {  	[sflag:s20] =	ssyncadd.s32 $0xFFFFC000  }
0x9f: {  	_ =	swait.ge [sflag:s31], $0x4000  }
0xa0: {  	s23 =	sadd.s32 $0x1, s23;
	[sflag:s31] =	ssyncset.done $0x0  }
0xa1: {  	p0 =	sne.s32 s23, s12;
	[sflag:s31] =	ssyncadd.s32 $0xFFFFC000  }
.Ltmp2:
0xa2: {  	[bflag:$0x0] =	sbarrier.arrive $0xFFFF;
	(pc) =	sbr.rel @p0 .LBB2_1-.Ltmp2, $4  }
0xa3: {  	[hbm:s11], [sflag:s7] =	dma.local [spmem:s13], $0x2000  }
0xa4: {  	_ =	swait.ge [sflag:s14], $0x2000  }
0xa5: {  	[sflag:s14] =	ssyncset.done $0x0  }
0xa6: {  	[sflag:s14] =	ssyncadd.s32 $0xFFFFE000  }
0xa7: {  	_ =	sfence.sel $0x180000  }
0xa8: {  	[bflag:$0x0] =	sbarrier.arrive $0xFFFF  }
0xa9: {  	_ =	strace $0x90000047  }
0xaa: {  	s0 =	stileid.u32;
	[bflag:$0x2] =	sbarrier.arrive $0xFFFF  }
0xab: {  	p0 =	sne.s32 s0, $0x0;
	s0 =	rddreg [dreg:$0x2]  }
0xac: {  	s0 =	sadd.s32 @!p0 $0x100000, s0  }
0xad: {  	[sflag:s0] =	ssyncadd.tile.s32 @!p0 $0x1;
	_ =	shalt  }
.Lfunc_end2:
_tile_overlayer_lowered:
.L_overlay_start_2:
0xae: {  	(tag) =	ssettag $0x2  }
0xaf: {  	s0 =	rddreg [dreg:$0x0];
	s2 =	stileid.u32  }
0xb0: {  	s1 =	rddreg [dreg:$0x1];
	p0 =	sne.s32 s2, $0x0  }
0xb1: {  	s3 =	rddreg [dreg:$0x2];
	[bflag:$0x3] =	sbarrier.arrive $0xFFFF;
	s2 =	simm.s32 @!p0 $0x1C07  }
0xb2: {  	[timem:s3], [sflag:s2] =	dma.local @!p0 [hbm:s0], s1  }
0xb3: {  	s0 =	simm.s32 @!p0 $0x7  }
0xb4: {  	_ =	swait.ge @!p0 [sflag:s0], s1  }
0xb5: {  	s1 =	ssub.s32 @!p0 $0x0, s1;
	[sflag:s0] =	ssyncset.done @!p0 $0x0  }
0xb6: {  	[sflag:s0] =	ssyncadd.s32 @!p0 s1  }
0xb7: {  	[bflag:$0x3] =	sbarrier.arrive $0xFFFF  }
0xb8: {  	_ =	shalt  }

</sc_bundles>
